<compile_context>
chip_gen: v7x
topology: tpu7x:2x2x1
jax: 0.10.2.dev20260603
libtpu: 0.0.44.dev20260713+nightly
codegen_flags: <defaults>
</compile_context>

<pallas_src>
import functools

import jax
import jax.numpy as jnp
from jax import lax
from jax.experimental import pallas as pl
from jax.experimental.pallas import tpu as pltpu
from jax.experimental.pallas import tpu_sc as plsc

_K = 8
_RADIUS = 0.1
_ROWS = 1024
_NW = 32
_CHUNK = 128


def _topk_kernel(pc_ref, pct_ref, cb_ref, out_ref):
    n = pct_ref.shape[2]
    xs = pc_ref[0]
    ys = pct_ref[0]
    g = lax.dot_general(xs, ys[0:3, :], (((1,), (0,)), ((), ())),
                        preferred_element_type=jnp.float32)
    sqx = jnp.sum(xs * xs, axis=1, keepdims=True)
    d2 = (g + sqx) + ys[3:4, :]
    keys = lax.bitcast_convert_type(
        jnp.bitwise_and(lax.bitcast_convert_type(d2, jnp.int32),
                        jnp.int32(-4096)) + cb_ref[0],
        jnp.float32)
    dead = jnp.float32(jnp.inf)
    lo = keys[:, 0:128]
    hi = jnp.full_like(lo, dead)
    for gch in range(1, n // 128):
        v = keys[:, gch * 128:(gch + 1) * 128]
        t = jnp.maximum(lo, v)
        lo = jnp.minimum(lo, v)
        hi = jnp.minimum(hi, t)
    cand = jnp.concatenate([lo, hi], axis=1)
    sel = []
    for _ in range(_K):
        m = jnp.min(cand, axis=1, keepdims=True)
        sel.append(m)
        cand = jnp.where(cand == m, dead, cand)
    mk = lax.bitcast_convert_type(jnp.concatenate(sel, axis=1),
                                  jnp.int32) - jnp.int32(0x08000000)
    ix = jnp.bitwise_and(mk, jnp.int32(4095))
    v = lax.bitcast_convert_type(mk - ix, jnp.float32)
    e = jnp.sqrt(jnp.maximum(v, 0.0))
    ix = jnp.where(e > jnp.float32(_RADIUS), ix[:, 0:1], ix)
    out_ref[0] = ix


def _topk_call(pc, pct, cb):
    b, n, _ = pc.shape
    return pl.pallas_call(
        _topk_kernel,
        grid=(b, n // _ROWS),
        in_specs=[
            pl.BlockSpec((1, _ROWS, 3), lambda bi, i: (bi, i, 0)),
            pl.BlockSpec((1, 4, n), lambda bi, i: (bi, 0, 0)),
            pl.BlockSpec((1, n), lambda bi, i: (0, 0)),
        ],
        out_specs=pl.BlockSpec((1, _ROWS, _K), lambda bi, i: (bi, i, 0)),
        out_shape=jax.ShapeDtypeStruct((b, n, _K), jnp.int32),
    )(pc, pct, cb)


def _make_sc_loss(b, n, c):
    ppw = (b * n) // _NW
    wpb = _NW // b
    idx_per_w = ppw * _K
    npairs = idx_per_w // 16
    mesh = plsc.VectorSubcoreMesh(core_axis_name="c", subcore_axis_name="s")

    @functools.partial(
        pl.kernel,
        mesh=mesh,
        compiler_params=pltpu.CompilerParams(
            needs_layout_passes=False, use_tc_tiling_on_sc=False),
        out_type=jax.ShapeDtypeStruct((_NW, 16), jnp.float32),
        scratch_types=[
            pltpu.VMEM((n, c), jnp.float32),
            pltpu.VMEM((idx_per_w,), jnp.int32),
            pltpu.VMEM((16,), jnp.float32),
        ],
    )
    def sc_loss(mask_hbm, gidx_hbm, out_hbm, table_v, idx_v, acc_v):
        wid = lax.axis_index("s") * 2 + lax.axis_index("c")
        batch = wid // wpb
        local_base = (wid % wpb) * ppw
        pltpu.sync_copy(mask_hbm.at[batch], table_v)
        pltpu.sync_copy(gidx_hbm.at[wid], idx_v)
        lane = lax.iota(jnp.int32, 16)
        own_off = lax.shift_right_logical(lane, 3)

        def body(p, acc):
            iv = idx_v[pl.ds(p * 16, 16)]
            nvec = jnp.full((16,), local_base, jnp.int32) + 2 * p + own_off
            for ch in range(c):
                cv = jnp.full((16,), ch, jnp.int32)
                nb = plsc.load_gather(table_v, [iv, cv])
                ow = plsc.load_gather(table_v, [nvec, cv])
                acc = acc + jnp.abs(ow - nb)
            return acc

        acc = lax.fori_loop(0, npairs, body, jnp.zeros((16,), jnp.float32))
        acc_v[...] = acc
        pltpu.sync_copy(acc_v, out_hbm.at[wid])

    return sc_loss


def kernel(pc, mask):
    b, n, c = mask.shape
    sqy = jnp.sum(pc * pc, axis=2)[:, None, :]
    pct = jnp.concatenate([jnp.transpose(-2.0 * pc, (0, 2, 1)), sqy], axis=1)
    cb = (jnp.arange(n, dtype=jnp.int32) + jnp.int32(0x08000000))[None, :]
    h = b // 2
    sc_loss = _make_sc_loss(h, n, c)
    parts = []
    for s in range(2):
        sl = slice(s * h, (s + 1) * h)
        gidx = _topk_call(pc[sl], pct[sl], cb)
        gidx_r = gidx.reshape(_NW, (h * n * _K) // _NW)
        parts.append(sc_loss(mask[sl], gidx_r))
    partials = parts[0] + parts[1]
    return jnp.sum(partials) / jnp.float32(b * n * _K)

# --- scband reference (transcript-rebuilt; emitter-appended) ---
"""Pipeline reference for scband-knn-loss-58377195487672 (READ-ONLY COPY).

The authoritative reference and input builder live on the scoring server;
editing this copy changes nothing except your own understanding.
"""

import jax, jax.numpy as jnp
import numpy as np

K_NN = 8
RADIUS = 0.1
LOSS_NORM = 1

def setup_inputs(seed: int = 0) -> dict:
    key = jax.random.key(seed)
    k1, k2 = jax.random.split(key)
    pc = jax.random.uniform(k1, (4, 4096, 3), dtype=jnp.float32)
    mask = jax.random.uniform(k2, (4, 4096, 16), dtype=jnp.float32)
    return {"pc": pc, "mask": mask}

def _knn(pc, k):
    # squared pairwise distances via ||a||^2 + ||b||^2 - 2 a.b  -> [B, N, N]
    sq = jnp.sum(pc * pc, axis=-1)
    d2 = sq[:, :, None] + sq[:, None, :] - 2.0 * jnp.einsum('bnd,bmd->bnm', pc, pc)
    neg_d, idx = jax.lax.top_k(-d2, k)  # smallest distances first
    dists = -neg_d
    return dists, idx

def reference(pc, mask):
    B, N, C = mask.shape
    mask_p = jnp.transpose(mask, (0, 2, 1))  # [B, C, N]
    dists, idx = _knn(pc, K_NN)  # squared dists [B,N,k], idx [B,N,k]
    euclidean_dists = jnp.sqrt(jnp.maximum(dists, 0.0))
    tmp_idx = jnp.repeat(idx[:, :, 0:1], K_NN, axis=2)
    over_radius = euclidean_dists > RADIUS
    idx2 = jnp.where(over_radius, tmp_idx, idx)
    idx2 = jnp.clip(idx2.astype(jnp.int64), 0, N - 1)
    feats = mask  # [B, N, C]  (= mask_p.permute(0,2,1))
    nn = jax.vmap(lambda f, i: f[i])(feats, idx2)  # knn_gather -> [B, N, k, C]
    nn_mask = jnp.transpose(nn, (0, 3, 1, 2))  # [B, C, N, k]
    ref = mask_p[:, :, :, None]  # [B, C, N, 1]
    diff = jnp.abs(ref - nn_mask)
    if LOSS_NORM == 1:
        loss = jnp.sum(diff, axis=1)
    else:
        loss = jnp.sqrt(jnp.sum(diff * diff, axis=1))
    loss = jnp.mean(loss, axis=-1)  # [B, N]
    return jnp.mean(loss)

if __name__ == "__main__":
    import jax
    _d = setup_inputs()
    print(jax.jit(kernel)(*tuple(_d.values())))

</pallas_src>

<mosaic_0001>
#map = affine_map<(d0, d1) -> (0, 0, 0)>
#map1 = affine_map<(d0, d1) -> (0, 0)>
module attributes {stable_mosaic.version = 14 : i64} {
  func.func @sc_loss(%arg0: i32, %arg1: i32, %arg2: memref<2x4096x16xf32, #tpu.memory_space<hbm>>, %arg3: memref<32x2048xi32, #tpu.memory_space<hbm>>, %arg4: memref<32x16xf32, #tpu.memory_space<hbm>>, %arg5: memref<4096x16xf32, #tpu.memory_space<vmem>>, %arg6: memref<2048xi32, #tpu.memory_space<vmem>>, %arg7: memref<16xf32, #tpu.memory_space<vmem>>) attributes {dimension_semantics = [#tpu.dimension_semantics<core_parallel>, #tpu.dimension_semantics<subcore_parallel>], iteration_bounds = array<i64: 2, 16>, scalar_prefetch = 0 : i64, scratch_operands = 3 : i64, tpu.core_type = #tpu.core_type<sc_vector_subcore>, window_params = [{transform_indices = #map}, {transform_indices = #map1}, {transform_indices = #map1}]} {
    %mul3A = arith.constant 2 : i32
    %mul3A_0 = arith.muli %arg1, %mul3A : i32
    %add3A = arith.addi %mul3A_0, %arg0 : i32
    %jit3A = arith.constant 16 : i32
    %div3A = arith.divsi %add3A, %jit3A : i32
    %sign3A = arith.constant 0 : i32
    %sign3A_1 = arith.cmpi sgt, %add3A, %sign3A : i32
    %sign3A_2 = arith.extui %sign3A_1 : i1 to i32
    %sign3A_3 = arith.constant 0 : i32
    %sign3A_4 = arith.cmpi slt, %add3A, %sign3A_3 : i32
    %sign3A_5 = arith.extui %sign3A_4 : i1 to i32
    %sign3A_6 = arith.subi %sign3A_2, %sign3A_5 : i32
    %sign3A_7 = arith.constant 0 : i32
    %sign3A_8 = arith.cmpi sgt, %jit3A, %sign3A_7 : i32
    %sign3A_9 = arith.extui %sign3A_8 : i1 to i32
    %sign3A_10 = arith.constant 0 : i32
    %sign3A_11 = arith.cmpi slt, %jit3A, %sign3A_10 : i32
    %sign3A_12 = arith.extui %sign3A_11 : i1 to i32
    %sign3A_13 = arith.subi %sign3A_9, %sign3A_12 : i32
    %ne3A = arith.cmpi ne, %sign3A_6, %sign3A_13 : i32
    %rem3A = arith.remsi %add3A, %jit3A : i32
    %ne3A_14 = arith.constant 0 : i32
    %ne3A_15 = arith.cmpi ne, %rem3A, %ne3A_14 : i32
    %and3A = arith.andi %ne3A, %ne3A_15 : i1
    %sub3A = arith.constant 1 : i32
    %sub3A_16 = arith.subi %div3A, %sub3A : i32
    %select_n3A = arith.select %and3A, %sub3A_16, %div3A : i32
    %jit3A_17 = arith.constant 16 : i32
    %eq3A = arith.constant 0 : i32
    %eq3A_18 = arith.cmpi eq, %jit3A_17, %eq3A : i32
    %jit3A_19 = arith.constant 1 : i32
    %select_n3A_20 = arith.select %eq3A_18, %jit3A_19, %jit3A_17 : i32
    %rem3A_21 = arith.remsi %add3A, %select_n3A_20 : i32
    %ne3A_22 = arith.constant 0 : i32
    %ne3A_23 = arith.cmpi ne, %rem3A_21, %ne3A_22 : i32
    %lt3A = arith.constant 0 : i32
    %lt3A_24 = arith.cmpi slt, %rem3A_21, %lt3A : i32
    %lt3A_25 = arith.constant 0 : i32
    %lt3A_26 = arith.cmpi slt, %select_n3A_20, %lt3A_25 : i32
    %ne3A_27 = arith.xori %lt3A_24, %lt3A_26 : i1
    %and3A_28 = arith.andi %ne3A_27, %ne3A_23 : i1
    %add3A_29 = arith.addi %rem3A_21, %select_n3A_20 : i32
    %select_n3A_30 = arith.select %and3A_28, %add3A_29, %rem3A_21 : i32
    %mul3A_31 = arith.constant 256 : i32
    %mul3A_32 = arith.muli %select_n3A_30, %mul3A_31 : i32
    "tpu.region"() ({
      %run_scoped3A = tpu.sem_alloc : memref<!tpu.dma_semaphore, #tpu.memory_space<semaphore_mem>>
      %dma_start3A = arith.constant 0 : i32
      %dma_start3A_42 = arith.constant 0 : i32
      %dma_start3A_43 = tpu.memref_slice %arg2[%select_n3A, %dma_start3A, %dma_start3A_42] : memref<2x4096x16xf32, #tpu.memory_space<hbm>> -> memref<1x4096x16xf32, #tpu.memory_space<hbm>>
      %dma_start3A_44 = tpu.memref_squeeze %dma_start3A_43 : memref<1x4096x16xf32, #tpu.memory_space<hbm>> -> memref<4096x16xf32, #tpu.memory_space<hbm>>
      %dma_start3A_45 = arith.constant 0 : i32
      %dma_start3A_46 = arith.constant 0 : i32
      %dma_start3A_47 = tpu.memref_slice %arg2[%select_n3A, %dma_start3A_45, %dma_start3A_46] : memref<2x4096x16xf32, #tpu.memory_space<hbm>> -> memref<1x4096x16xf32, #tpu.memory_space<hbm>>
      %dma_start3A_48 = tpu.memref_squeeze %dma_start3A_47 : memref<1x4096x16xf32, #tpu.memory_space<hbm>> -> memref<4096x16xf32, #tpu.memory_space<hbm>>
      tpu.enqueue_dma source(%dma_start3A_48 : memref<4096x16xf32, #tpu.memory_space<hbm>>) target(%arg5 : memref<4096x16xf32, #tpu.memory_space<vmem>>) target_semaphore(%run_scoped3A : memref<!tpu.dma_semaphore, #tpu.memory_space<semaphore_mem>>)
      %dma_wait3A = arith.constant 0 : i32
      %dma_wait3A_49 = arith.constant 0 : i32
      %dma_wait3A_50 = tpu.memref_slice %arg2[%select_n3A, %dma_wait3A, %dma_wait3A_49] : memref<2x4096x16xf32, #tpu.memory_space<hbm>> -> memref<1x4096x16xf32, #tpu.memory_space<hbm>>
      %dma_wait3A_51 = tpu.memref_squeeze %dma_wait3A_50 : memref<1x4096x16xf32, #tpu.memory_space<hbm>> -> memref<4096x16xf32, #tpu.memory_space<hbm>>
      %dma_wait3A_52 = arith.constant 0 : i32
      %dma_wait3A_53 = arith.constant 0 : i32
      %dma_wait3A_54 = tpu.memref_slice %arg2[%select_n3A, %dma_wait3A_52, %dma_wait3A_53] : memref<2x4096x16xf32, #tpu.memory_space<hbm>> -> memref<1x4096x16xf32, #tpu.memory_space<hbm>>
      %dma_wait3A_55 = tpu.memref_squeeze %dma_wait3A_54 : memref<1x4096x16xf32, #tpu.memory_space<hbm>> -> memref<4096x16xf32, #tpu.memory_space<hbm>>
      tpu.wait_dma2 semaphore(%run_scoped3A : memref<!tpu.dma_semaphore, #tpu.memory_space<semaphore_mem>>) src(%dma_wait3A_55 : memref<4096x16xf32, #tpu.memory_space<hbm>>) dst(%arg5 : memref<4096x16xf32, #tpu.memory_space<vmem>>)
      tpu.yield
    }) : () -> ()
    "tpu.region"() ({
      %run_scoped3A = tpu.sem_alloc : memref<!tpu.dma_semaphore, #tpu.memory_space<semaphore_mem>>
      %dma_start3A = arith.constant 0 : i32
      %dma_start3A_42 = tpu.memref_slice %arg3[%add3A, %dma_start3A] : memref<32x2048xi32, #tpu.memory_space<hbm>> -> memref<1x2048xi32, #tpu.memory_space<hbm>>
      %dma_start3A_43 = tpu.memref_squeeze %dma_start3A_42 : memref<1x2048xi32, #tpu.memory_space<hbm>> -> memref<2048xi32, #tpu.memory_space<hbm>>
      %dma_start3A_44 = arith.constant 0 : i32
      %dma_start3A_45 = tpu.memref_slice %arg3[%add3A, %dma_start3A_44] : memref<32x2048xi32, #tpu.memory_space<hbm>> -> memref<1x2048xi32, #tpu.memory_space<hbm>>
      %dma_start3A_46 = tpu.memref_squeeze %dma_start3A_45 : memref<1x2048xi32, #tpu.memory_space<hbm>> -> memref<2048xi32, #tpu.memory_space<hbm>>
      tpu.enqueue_dma source(%dma_start3A_46 : memref<2048xi32, #tpu.memory_space<hbm>>) target(%arg6 : memref<2048xi32, #tpu.memory_space<vmem>>) target_semaphore(%run_scoped3A : memref<!tpu.dma_semaphore, #tpu.memory_space<semaphore_mem>>)
      %dma_wait3A = arith.constant 0 : i32
      %dma_wait3A_47 = tpu.memref_slice %arg3[%add3A, %dma_wait3A] : memref<32x2048xi32, #tpu.memory_space<hbm>> -> memref<1x2048xi32, #tpu.memory_space<hbm>>
      %dma_wait3A_48 = tpu.memref_squeeze %dma_wait3A_47 : memref<1x2048xi32, #tpu.memory_space<hbm>> -> memref<2048xi32, #tpu.memory_space<hbm>>
      %dma_wait3A_49 = arith.constant 0 : i32
      %dma_wait3A_50 = tpu.memref_slice %arg3[%add3A, %dma_wait3A_49] : memref<32x2048xi32, #tpu.memory_space<hbm>> -> memref<1x2048xi32, #tpu.memory_space<hbm>>
      %dma_wait3A_51 = tpu.memref_squeeze %dma_wait3A_50 : memref<1x2048xi32, #tpu.memory_space<hbm>> -> memref<2048xi32, #tpu.memory_space<hbm>>
      tpu.wait_dma2 semaphore(%run_scoped3A : memref<!tpu.dma_semaphore, #tpu.memory_space<semaphore_mem>>) src(%dma_wait3A_51 : memref<2048xi32, #tpu.memory_space<hbm>>) dst(%arg6 : memref<2048xi32, #tpu.memory_space<vmem>>)
      tpu.yield
    }) : () -> ()
    %iota3A = tpu.iota {dimensions = array<i32: 0>} : vector<16xi32>
    %shift_right_logical3A = arith.constant 3 : i32
    %shift_right_logical3A_33 = vector.broadcast %shift_right_logical3A : i32 to vector<16xi32>
    %shift_right_logical3A_34 = arith.shrui %iota3A, %shift_right_logical3A_33 : vector<16xi32>
    %broadcast_in_dim3A = arith.constant 0.000000e+00 : f32
    %broadcast_in_dim3A_35 = vector.broadcast %broadcast_in_dim3A : f32 to vector<16xf32>
    %scan3A = arith.constant 0 : i32
    %scan3A_36 = arith.constant 128 : i32
    %scan3A_37 = arith.addi %scan3A, %scan3A_36 : i32
    %scan3A_38 = arith.constant 1 : i32
    %scan3A_39 = scf.for %scan3A_42 = %scan3A to %scan3A_37 step %scan3A_38 iter_args(%scan3A_43 = %broadcast_in_dim3A_35) -> (vector<16xf32>)  : i32 {
      %mul3A_44 = arith.constant 16 : i32
      %mul3A_45 = arith.muli %scan3A_42, %mul3A_44 : i32
      %get3A = arith.index_cast %mul3A_45 : i32 to index
      %get3A_46 = tpu.vector_load %arg6[%get3A] {strides = array<i32>} : memref<2048xi32, #tpu.memory_space<vmem>>, vector<16xi32>,
      %broadcast_in_dim3A_47 = vector.broadcast %mul3A_32 : i32 to vector<16xi32>
      %mul3A_48 = arith.constant 2 : i32
      %mul3A_49 = arith.muli %mul3A_48, %scan3A_42 : i32
      %add3A_50 = vector.broadcast %mul3A_49 : i32 to vector<16xi32>
      %add3A_51 = arith.addi %broadcast_in_dim3A_47, %add3A_50 : vector<16xi32>
      %add3A_52 = arith.addi %add3A_51, %shift_right_logical3A_34 : vector<16xi32>
      %broadcast_in_dim3A_53 = arith.constant 0 : i32
      %broadcast_in_dim3A_54 = vector.broadcast %broadcast_in_dim3A_53 : i32 to vector<16xi32>
      %gather3A = tpu.vector_load_idx %arg5[%get3A_46, %broadcast_in_dim3A_54] : memref<4096x16xf32, #tpu.memory_space<vmem>>[vector<16xi32>, vector<16xi32>], vector<16xf32>,
      %gather3A_55 = tpu.vector_load_idx %arg5[%add3A_52, %broadcast_in_dim3A_54] : memref<4096x16xf32, #tpu.memory_space<vmem>>[vector<16xi32>, vector<16xi32>], vector<16xf32>,
      %sub3A_56 = arith.subf %gather3A_55, %gather3A : vector<16xf32>
      %abs3A = math.absf %sub3A_56 : vector<16xf32>
      %add3A_57 = arith.addf %scan3A_43, %abs3A : vector<16xf32>
      %broadcast_in_dim3A_58 = arith.constant 1 : i32
      %broadcast_in_dim3A_59 = vector.broadcast %broadcast_in_dim3A_58 : i32 to vector<16xi32>
      %gather3A_60 = tpu.vector_load_idx %arg5[%get3A_46, %broadcast_in_dim3A_59] : memref<4096x16xf32, #tpu.memory_space<vmem>>[vector<16xi32>, vector<16xi32>], vector<16xf32>,
      %gather3A_61 = tpu.vector_load_idx %arg5[%add3A_52, %broadcast_in_dim3A_59] : memref<4096x16xf32, #tpu.memory_space<vmem>>[vector<16xi32>, vector<16xi32>], vector<16xf32>,
      %sub3A_62 = arith.subf %gather3A_61, %gather3A_60 : vector<16xf32>
      %abs3A_63 = math.absf %sub3A_62 : vector<16xf32>
      %add3A_64 = arith.addf %add3A_57, %abs3A_63 : vector<16xf32>
      %broadcast_in_dim3A_65 = arith.constant 2 : i32
      %broadcast_in_dim3A_66 = vector.broadcast %broadcast_in_dim3A_65 : i32 to vector<16xi32>
      %gather3A_67 = tpu.vector_load_idx %arg5[%get3A_46, %broadcast_in_dim3A_66] : memref<4096x16xf32, #tpu.memory_space<vmem>>[vector<16xi32>, vector<16xi32>], vector<16xf32>,
      %gather3A_68 = tpu.vector_load_idx %arg5[%add3A_52, %broadcast_in_dim3A_66] : memref<4096x16xf32, #tpu.memory_space<vmem>>[vector<16xi32>, vector<16xi32>], vector<16xf32>,
      %sub3A_69 = arith.subf %gather3A_68, %gather3A_67 : vector<16xf32>
      %abs3A_70 = math.absf %sub3A_69 : vector<16xf32>
      %add3A_71 = arith.addf %add3A_64, %abs3A_70 : vector<16xf32>
      %broadcast_in_dim3A_72 = arith.constant 3 : i32
      %broadcast_in_dim3A_73 = vector.broadcast %broadcast_in_dim3A_72 : i32 to vector<16xi32>
      %gather3A_74 = tpu.vector_load_idx %arg5[%get3A_46, %broadcast_in_dim3A_73] : memref<4096x16xf32, #tpu.memory_space<vmem>>[vector<16xi32>, vector<16xi32>], vector<16xf32>,
      %gather3A_75 = tpu.vector_load_idx %arg5[%add3A_52, %broadcast_in_dim3A_73] : memref<4096x16xf32, #tpu.memory_space<vmem>>[vector<16xi32>, vector<16xi32>], vector<16xf32>,
      %sub3A_76 = arith.subf %gather3A_75, %gather3A_74 : vector<16xf32>
      %abs3A_77 = math.absf %sub3A_76 : vector<16xf32>
      %add3A_78 = arith.addf %add3A_71, %abs3A_77 : vector<16xf32>
      %broadcast_in_dim3A_79 = arith.constant 4 : i32
      %broadcast_in_dim3A_80 = vector.broadcast %broadcast_in_dim3A_79 : i32 to vector<16xi32>
      %gather3A_81 = tpu.vector_load_idx %arg5[%get3A_46, %broadcast_in_dim3A_80] : memref<4096x16xf32, #tpu.memory_space<vmem>>[vector<16xi32>, vector<16xi32>], vector<16xf32>,
      %gather3A_82 = tpu.vector_load_idx %arg5[%add3A_52, %broadcast_in_dim3A_80] : memref<4096x16xf32, #tpu.memory_space<vmem>>[vector<16xi32>, vector<16xi32>], vector<16xf32>,
      %sub3A_83 = arith.subf %gather3A_82, %gather3A_81 : vector<16xf32>
      %abs3A_84 = math.absf %sub3A_83 : vector<16xf32>
      %add3A_85 = arith.addf %add3A_78, %abs3A_84 : vector<16xf32>
      %broadcast_in_dim3A_86 = arith.constant 5 : i32
      %broadcast_in_dim3A_87 = vector.broadcast %broadcast_in_dim3A_86 : i32 to vector<16xi32>
      %gather3A_88 = tpu.vector_load_idx %arg5[%get3A_46, %broadcast_in_dim3A_87] : memref<4096x16xf32, #tpu.memory_space<vmem>>[vector<16xi32>, vector<16xi32>], vector<16xf32>,
      %gather3A_89 = tpu.vector_load_idx %arg5[%add3A_52, %broadcast_in_dim3A_87] : memref<4096x16xf32, #tpu.memory_space<vmem>>[vector<16xi32>, vector<16xi32>], vector<16xf32>,
      %sub3A_90 = arith.subf %gather3A_89, %gather3A_88 : vector<16xf32>
      %abs3A_91 = math.absf %sub3A_90 : vector<16xf32>
      %add3A_92 = arith.addf %add3A_85, %abs3A_91 : vector<16xf32>
      %broadcast_in_dim3A_93 = arith.constant 6 : i32
      %broadcast_in_dim3A_94 = vector.broadcast %broadcast_in_dim3A_93 : i32 to vector<16xi32>
      %gather3A_95 = tpu.vector_load_idx %arg5[%get3A_46, %broadcast_in_dim3A_94] : memref<4096x16xf32, #tpu.memory_space<vmem>>[vector<16xi32>, vector<16xi32>], vector<16xf32>,
      %gather3A_96 = tpu.vector_load_idx %arg5[%add3A_52, %broadcast_in_dim3A_94] : memref<4096x16xf32, #tpu.memory_space<vmem>>[vector<16xi32>, vector<16xi32>], vector<16xf32>,
      %sub3A_97 = arith.subf %gather3A_96, %gather3A_95 : vector<16xf32>
      %abs3A_98 = math.absf %sub3A_97 : vector<16xf32>
      %add3A_99 = arith.addf %add3A_92, %abs3A_98 : vector<16xf32>
      %broadcast_in_dim3A_100 = arith.constant 7 : i32
      %broadcast_in_dim3A_101 = vector.broadcast %broadcast_in_dim3A_100 : i32 to vector<16xi32>
      %gather3A_102 = tpu.vector_load_idx %arg5[%get3A_46, %broadcast_in_dim3A_101] : memref<4096x16xf32, #tpu.memory_space<vmem>>[vector<16xi32>, vector<16xi32>], vector<16xf32>,
      %gather3A_103 = tpu.vector_load_idx %arg5[%add3A_52, %broadcast_in_dim3A_101] : memref<4096x16xf32, #tpu.memory_space<vmem>>[vector<16xi32>, vector<16xi32>], vector<16xf32>,
      %sub3A_104 = arith.subf %gather3A_103, %gather3A_102 : vector<16xf32>
      %abs3A_105 = math.absf %sub3A_104 : vector<16xf32>
      %add3A_106 = arith.addf %add3A_99, %abs3A_105 : vector<16xf32>
      %broadcast_in_dim3A_107 = arith.constant 8 : i32
      %broadcast_in_dim3A_108 = vector.broadcast %broadcast_in_dim3A_107 : i32 to vector<16xi32>
      %gather3A_109 = tpu.vector_load_idx %arg5[%get3A_46, %broadcast_in_dim3A_108] : memref<4096x16xf32, #tpu.memory_space<vmem>>[vector<16xi32>, vector<16xi32>], vector<16xf32>,
      %gather3A_110 = tpu.vector_load_idx %arg5[%add3A_52, %broadcast_in_dim3A_108] : memref<4096x16xf32, #tpu.memory_space<vmem>>[vector<16xi32>, vector<16xi32>], vector<16xf32>,
      %sub3A_111 = arith.subf %gather3A_110, %gather3A_109 : vector<16xf32>
      %abs3A_112 = math.absf %sub3A_111 : vector<16xf32>
      %add3A_113 = arith.addf %add3A_106, %abs3A_112 : vector<16xf32>
      %broadcast_in_dim3A_114 = arith.constant 9 : i32
      %broadcast_in_dim3A_115 = vector.broadcast %broadcast_in_dim3A_114 : i32 to vector<16xi32>
      %gather3A_116 = tpu.vector_load_idx %arg5[%get3A_46, %broadcast_in_dim3A_115] : memref<4096x16xf32, #tpu.memory_space<vmem>>[vector<16xi32>, vector<16xi32>], vector<16xf32>,
      %gather3A_117 = tpu.vector_load_idx %arg5[%add3A_52, %broadcast_in_dim3A_115] : memref<4096x16xf32, #tpu.memory_space<vmem>>[vector<16xi32>, vector<16xi32>], vector<16xf32>,
      %sub3A_118 = arith.subf %gather3A_117, %gather3A_116 : vector<16xf32>
      %abs3A_119 = math.absf %sub3A_118 : vector<16xf32>
      %add3A_120 = arith.addf %add3A_113, %abs3A_119 : vector<16xf32>
      %broadcast_in_dim3A_121 = arith.constant 10 : i32
      %broadcast_in_dim3A_122 = vector.broadcast %broadcast_in_dim3A_121 : i32 to vector<16xi32>
      %gather3A_123 = tpu.vector_load_idx %arg5[%get3A_46, %broadcast_in_dim3A_122] : memref<4096x16xf32, #tpu.memory_space<vmem>>[vector<16xi32>, vector<16xi32>], vector<16xf32>,
      %gather3A_124 = tpu.vector_load_idx %arg5[%add3A_52, %broadcast_in_dim3A_122] : memref<4096x16xf32, #tpu.memory_space<vmem>>[vector<16xi32>, vector<16xi32>], vector<16xf32>,
      %sub3A_125 = arith.subf %gather3A_124, %gather3A_123 : vector<16xf32>
      %abs3A_126 = math.absf %sub3A_125 : vector<16xf32>
      %add3A_127 = arith.addf %add3A_120, %abs3A_126 : vector<16xf32>
      %broadcast_in_dim3A_128 = arith.constant 11 : i32
      %broadcast_in_dim3A_129 = vector.broadcast %broadcast_in_dim3A_128 : i32 to vector<16xi32>
      %gather3A_130 = tpu.vector_load_idx %arg5[%get3A_46, %broadcast_in_dim3A_129] : memref<4096x16xf32, #tpu.memory_space<vmem>>[vector<16xi32>, vector<16xi32>], vector<16xf32>,
      %gather3A_131 = tpu.vector_load_idx %arg5[%add3A_52, %broadcast_in_dim3A_129] : memref<4096x16xf32, #tpu.memory_space<vmem>>[vector<16xi32>, vector<16xi32>], vector<16xf32>,
      %sub3A_132 = arith.subf %gather3A_131, %gather3A_130 : vector<16xf32>
      %abs3A_133 = math.absf %sub3A_132 : vector<16xf32>
      %add3A_134 = arith.addf %add3A_127, %abs3A_133 : vector<16xf32>
      %broadcast_in_dim3A_135 = arith.constant 12 : i32
      %broadcast_in_dim3A_136 = vector.broadcast %broadcast_in_dim3A_135 : i32 to vector<16xi32>
      %gather3A_137 = tpu.vector_load_idx %arg5[%get3A_46, %broadcast_in_dim3A_136] : memref<4096x16xf32, #tpu.memory_space<vmem>>[vector<16xi32>, vector<16xi32>], vector<16xf32>,
      %gather3A_138 = tpu.vector_load_idx %arg5[%add3A_52, %broadcast_in_dim3A_136] : memref<4096x16xf32, #tpu.memory_space<vmem>>[vector<16xi32>, vector<16xi32>], vector<16xf32>,
      %sub3A_139 = arith.subf %gather3A_138, %gather3A_137 : vector<16xf32>
      %abs3A_140 = math.absf %sub3A_139 : vector<16xf32>
      %add3A_141 = arith.addf %add3A_134, %abs3A_140 : vector<16xf32>
      %broadcast_in_dim3A_142 = arith.constant 13 : i32
      %broadcast_in_dim3A_143 = vector.broadcast %broadcast_in_dim3A_142 : i32 to vector<16xi32>
      %gather3A_144 = tpu.vector_load_idx %arg5[%get3A_46, %broadcast_in_dim3A_143] : memref<4096x16xf32, #tpu.memory_space<vmem>>[vector<16xi32>, vector<16xi32>], vector<16xf32>,
      %gather3A_145 = tpu.vector_load_idx %arg5[%add3A_52, %broadcast_in_dim3A_143] : memref<4096x16xf32, #tpu.memory_space<vmem>>[vector<16xi32>, vector<16xi32>], vector<16xf32>,
      %sub3A_146 = arith.subf %gather3A_145, %gather3A_144 : vector<16xf32>
      %abs3A_147 = math.absf %sub3A_146 : vector<16xf32>
      %add3A_148 = arith.addf %add3A_141, %abs3A_147 : vector<16xf32>
      %broadcast_in_dim3A_149 = arith.constant 14 : i32
      %broadcast_in_dim3A_150 = vector.broadcast %broadcast_in_dim3A_149 : i32 to vector<16xi32>
      %gather3A_151 = tpu.vector_load_idx %arg5[%get3A_46, %broadcast_in_dim3A_150] : memref<4096x16xf32, #tpu.memory_space<vmem>>[vector<16xi32>, vector<16xi32>], vector<16xf32>,
      %gather3A_152 = tpu.vector_load_idx %arg5[%add3A_52, %broadcast_in_dim3A_150] : memref<4096x16xf32, #tpu.memory_space<vmem>>[vector<16xi32>, vector<16xi32>], vector<16xf32>,
      %sub3A_153 = arith.subf %gather3A_152, %gather3A_151 : vector<16xf32>
      %abs3A_154 = math.absf %sub3A_153 : vector<16xf32>
      %add3A_155 = arith.addf %add3A_148, %abs3A_154 : vector<16xf32>
      %broadcast_in_dim3A_156 = arith.constant 15 : i32
      %broadcast_in_dim3A_157 = vector.broadcast %broadcast_in_dim3A_156 : i32 to vector<16xi32>
      %gather3A_158 = tpu.vector_load_idx %arg5[%get3A_46, %broadcast_in_dim3A_157] : memref<4096x16xf32, #tpu.memory_space<vmem>>[vector<16xi32>, vector<16xi32>], vector<16xf32>,
      %gather3A_159 = tpu.vector_load_idx %arg5[%add3A_52, %broadcast_in_dim3A_157] : memref<4096x16xf32, #tpu.memory_space<vmem>>[vector<16xi32>, vector<16xi32>], vector<16xf32>,
      %sub3A_160 = arith.subf %gather3A_159, %gather3A_158 : vector<16xf32>
      %abs3A_161 = math.absf %sub3A_160 : vector<16xf32>
      %add3A_162 = arith.addf %add3A_155, %abs3A_161 : vector<16xf32>
      scf.yield %add3A_162 : vector<16xf32>
    }
    %scan3A_40 = arith.constant 128 : i32
    %swap3A = arith.constant 0 : index
    %swap3A_41 = tpu.vector_load %arg7[%swap3A] {strides = array<i32>} : memref<16xf32, #tpu.memory_space<vmem>>, vector<16xf32>,
    tpu.vector_store %arg7[%swap3A], %scan3A_39 {strides = array<i32>} : memref<16xf32, #tpu.memory_space<vmem>>, vector<16xf32>,
    "tpu.region"() ({
      %run_scoped3A = tpu.sem_alloc : memref<!tpu.dma_semaphore, #tpu.memory_space<semaphore_mem>>
      %dma_start3A = arith.constant 0 : i32
      %dma_start3A_42 = tpu.memref_slice %arg4[%add3A, %dma_start3A] : memref<32x16xf32, #tpu.memory_space<hbm>> -> memref<1x16xf32, #tpu.memory_space<hbm>>
      %dma_start3A_43 = tpu.memref_squeeze %dma_start3A_42 : memref<1x16xf32, #tpu.memory_space<hbm>> -> memref<16xf32, #tpu.memory_space<hbm>>
      %dma_start3A_44 = arith.constant 0 : i32
      %dma_start3A_45 = tpu.memref_slice %arg4[%add3A, %dma_start3A_44] : memref<32x16xf32, #tpu.memory_space<hbm>> -> memref<1x16xf32, #tpu.memory_space<hbm>>
      %dma_start3A_46 = tpu.memref_squeeze %dma_start3A_45 : memref<1x16xf32, #tpu.memory_space<hbm>> -> memref<16xf32, #tpu.memory_space<hbm>>
      tpu.enqueue_dma source(%arg7 : memref<16xf32, #tpu.memory_space<vmem>>) target(%dma_start3A_46 : memref<16xf32, #tpu.memory_space<hbm>>) target_semaphore(%run_scoped3A : memref<!tpu.dma_semaphore, #tpu.memory_space<semaphore_mem>>)
      %dma_wait3A = arith.constant 0 : i32
      %dma_wait3A_47 = tpu.memref_slice %arg4[%add3A, %dma_wait3A] : memref<32x16xf32, #tpu.memory_space<hbm>> -> memref<1x16xf32, #tpu.memory_space<hbm>>
      %dma_wait3A_48 = tpu.memref_squeeze %dma_wait3A_47 : memref<1x16xf32, #tpu.memory_space<hbm>> -> memref<16xf32, #tpu.memory_space<hbm>>
      %dma_wait3A_49 = arith.constant 0 : i32
      %dma_wait3A_50 = tpu.memref_slice %arg4[%add3A, %dma_wait3A_49] : memref<32x16xf32, #tpu.memory_space<hbm>> -> memref<1x16xf32, #tpu.memory_space<hbm>>
      %dma_wait3A_51 = tpu.memref_squeeze %dma_wait3A_50 : memref<1x16xf32, #tpu.memory_space<hbm>> -> memref<16xf32, #tpu.memory_space<hbm>>
      tpu.wait_dma2 semaphore(%run_scoped3A : memref<!tpu.dma_semaphore, #tpu.memory_space<semaphore_mem>>) src(%arg7 : memref<16xf32, #tpu.memory_space<vmem>>) dst(%dma_wait3A_51 : memref<16xf32, #tpu.memory_space<hbm>>)
      tpu.yield
    }) : () -> ()
    return
  }
}

#map = affine_map<(d0, d1) -> (0, 0, 0)>
#map1 = affine_map<(d0, d1) -> (0, 0)>
module attributes {stable_mosaic.version = 14 : i64} {
  func.func @sc_loss(%arg0: i32, %arg1: i32, %arg2: memref<2x4096x16xf32, #tpu.memory_space<hbm>>, %arg3: memref<32x2048xi32, #tpu.memory_space<hbm>>, %arg4: memref<32x16xf32, #tpu.memory_space<hbm>>, %arg5: memref<4096x16xf32, #tpu.memory_space<vmem>>, %arg6: memref<2048xi32, #tpu.memory_space<vmem>>, %arg7: memref<16xf32, #tpu.memory_space<vmem>>) attributes {dimension_semantics = [#tpu.dimension_semantics<core_parallel>, #tpu.dimension_semantics<subcore_parallel>], iteration_bounds = array<i64: 2, 16>, scalar_prefetch = 0 : i64, scratch_operands = 3 : i64, tpu.core_type = #tpu.core_type<sc_vector_subcore>, window_params = [{transform_indices = #map}, {transform_indices = #map1}, {transform_indices = #map1}]} {
    %mul3A = arith.constant 2 : i32
    %mul3A_0 = arith.muli %arg1, %mul3A : i32
    %add3A = arith.addi %mul3A_0, %arg0 : i32
    %jit3A = arith.constant 16 : i32
    %div3A = arith.divsi %add3A, %jit3A : i32
    %sign3A = arith.constant 0 : i32
    %sign3A_1 = arith.cmpi sgt, %add3A, %sign3A : i32
    %sign3A_2 = arith.extui %sign3A_1 : i1 to i32
    %sign3A_3 = arith.constant 0 : i32
    %sign3A_4 = arith.cmpi slt, %add3A, %sign3A_3 : i32
    %sign3A_5 = arith.extui %sign3A_4 : i1 to i32
    %sign3A_6 = arith.subi %sign3A_2, %sign3A_5 : i32
    %sign3A_7 = arith.constant 0 : i32
    %sign3A_8 = arith.cmpi sgt, %jit3A, %sign3A_7 : i32
    %sign3A_9 = arith.extui %sign3A_8 : i1 to i32
    %sign3A_10 = arith.constant 0 : i32
    %sign3A_11 = arith.cmpi slt, %jit3A, %sign3A_10 : i32
    %sign3A_12 = arith.extui %sign3A_11 : i1 to i32
    %sign3A_13 = arith.subi %sign3A_9, %sign3A_12 : i32
    %ne3A = arith.cmpi ne, %sign3A_6, %sign3A_13 : i32
    %rem3A = arith.remsi %add3A, %jit3A : i32
    %ne3A_14 = arith.constant 0 : i32
    %ne3A_15 = arith.cmpi ne, %rem3A, %ne3A_14 : i32
    %and3A = arith.andi %ne3A, %ne3A_15 : i1
    %sub3A = arith.constant 1 : i32
    %sub3A_16 = arith.subi %div3A, %sub3A : i32
    %select_n3A = arith.select %and3A, %sub3A_16, %div3A : i32
    %jit3A_17 = arith.constant 16 : i32
    %eq3A = arith.constant 0 : i32
    %eq3A_18 = arith.cmpi eq, %jit3A_17, %eq3A : i32
    %jit3A_19 = arith.constant 1 : i32
    %select_n3A_20 = arith.select %eq3A_18, %jit3A_19, %jit3A_17 : i32
    %rem3A_21 = arith.remsi %add3A, %select_n3A_20 : i32
    %ne3A_22 = arith.constant 0 : i32
    %ne3A_23 = arith.cmpi ne, %rem3A_21, %ne3A_22 : i32
    %lt3A = arith.constant 0 : i32
    %lt3A_24 = arith.cmpi slt, %rem3A_21, %lt3A : i32
    %lt3A_25 = arith.constant 0 : i32
    %lt3A_26 = arith.cmpi slt, %select_n3A_20, %lt3A_25 : i32
    %ne3A_27 = arith.xori %lt3A_24, %lt3A_26 : i1
    %and3A_28 = arith.andi %ne3A_27, %ne3A_23 : i1
    %add3A_29 = arith.addi %rem3A_21, %select_n3A_20 : i32
    %select_n3A_30 = arith.select %and3A_28, %add3A_29, %rem3A_21 : i32
    %mul3A_31 = arith.constant 256 : i32
    %mul3A_32 = arith.muli %select_n3A_30, %mul3A_31 : i32
    "tpu.region"() ({
      %run_scoped3A = tpu.sem_alloc : memref<!tpu.dma_semaphore, #tpu.memory_space<semaphore_mem>>
      %dma_start3A = arith.constant 0 : i32
      %dma_start3A_42 = arith.constant 0 : i32
      %dma_start3A_43 = tpu.memref_slice %arg2[%select_n3A, %dma_start3A, %dma_start3A_42] : memref<2x4096x16xf32, #tpu.memory_space<hbm>> -> memref<1x4096x16xf32, #tpu.memory_space<hbm>>
      %dma_start3A_44 = tpu.memref_squeeze %dma_start3A_43 : memref<1x4096x16xf32, #tpu.memory_space<hbm>> -> memref<4096x16xf32, #tpu.memory_space<hbm>>
      %dma_start3A_45 = arith.constant 0 : i32
      %dma_start3A_46 = arith.constant 0 : i32
      %dma_start3A_47 = tpu.memref_slice %arg2[%select_n3A, %dma_start3A_45, %dma_start3A_46] : memref<2x4096x16xf32, #tpu.memory_space<hbm>> -> memref<1x4096x16xf32, #tpu.memory_space<hbm>>
      %dma_start3A_48 = tpu.memref_squeeze %dma_start3A_47 : memref<1x4096x16xf32, #tpu.memory_space<hbm>> -> memref<4096x16xf32, #tpu.memory_space<hbm>>
      tpu.enqueue_dma source(%dma_start3A_48 : memref<4096x16xf32, #tpu.memory_space<hbm>>) target(%arg5 : memref<4096x16xf32, #tpu.memory_space<vmem>>) target_semaphore(%run_scoped3A : memref<!tpu.dma_semaphore, #tpu.memory_space<semaphore_mem>>)
      %dma_wait3A = arith.constant 0 : i32
      %dma_wait3A_49 = arith.constant 0 : i32
      %dma_wait3A_50 = tpu.memref_slice %arg2[%select_n3A, %dma_wait3A, %dma_wait3A_49] : memref<2x4096x16xf32, #tpu.memory_space<hbm>> -> memref<1x4096x16xf32, #tpu.memory_space<hbm>>
      %dma_wait3A_51 = tpu.memref_squeeze %dma_wait3A_50 : memref<1x4096x16xf32, #tpu.memory_space<hbm>> -> memref<4096x16xf32, #tpu.memory_space<hbm>>
      %dma_wait3A_52 = arith.constant 0 : i32
      %dma_wait3A_53 = arith.constant 0 : i32
      %dma_wait3A_54 = tpu.memref_slice %arg2[%select_n3A, %dma_wait3A_52, %dma_wait3A_53] : memref<2x4096x16xf32, #tpu.memory_space<hbm>> -> memref<1x4096x16xf32, #tpu.memory_space<hbm>>
      %dma_wait3A_55 = tpu.memref_squeeze %dma_wait3A_54 : memref<1x4096x16xf32, #tpu.memory_space<hbm>> -> memref<4096x16xf32, #tpu.memory_space<hbm>>
      tpu.wait_dma2 semaphore(%run_scoped3A : memref<!tpu.dma_semaphore, #tpu.memory_space<semaphore_mem>>) src(%dma_wait3A_55 : memref<4096x16xf32, #tpu.memory_space<hbm>>) dst(%arg5 : memref<4096x16xf32, #tpu.memory_space<vmem>>)
      tpu.yield
    }) : () -> ()
    "tpu.region"() ({
      %run_scoped3A = tpu.sem_alloc : memref<!tpu.dma_semaphore, #tpu.memory_space<semaphore_mem>>
      %dma_start3A = arith.constant 0 : i32
      %dma_start3A_42 = tpu.memref_slice %arg3[%add3A, %dma_start3A] : memref<32x2048xi32, #tpu.memory_space<hbm>> -> memref<1x2048xi32, #tpu.memory_space<hbm>>
      %dma_start3A_43 = tpu.memref_squeeze %dma_start3A_42 : memref<1x2048xi32, #tpu.memory_space<hbm>> -> memref<2048xi32, #tpu.memory_space<hbm>>
      %dma_start3A_44 = arith.constant 0 : i32
      %dma_start3A_45 = tpu.memref_slice %arg3[%add3A, %dma_start3A_44] : memref<32x2048xi32, #tpu.memory_space<hbm>> -> memref<1x2048xi32, #tpu.memory_space<hbm>>
      %dma_start3A_46 = tpu.memref_squeeze %dma_start3A_45 : memref<1x2048xi32, #tpu.memory_space<hbm>> -> memref<2048xi32, #tpu.memory_space<hbm>>
      tpu.enqueue_dma source(%dma_start3A_46 : memref<2048xi32, #tpu.memory_space<hbm>>) target(%arg6 : memref<2048xi32, #tpu.memory_space<vmem>>) target_semaphore(%run_scoped3A : memref<!tpu.dma_semaphore, #tpu.memory_space<semaphore_mem>>)
      %dma_wait3A = arith.constant 0 : i32
      %dma_wait3A_47 = tpu.memref_slice %arg3[%add3A, %dma_wait3A] : memref<32x2048xi32, #tpu.memory_space<hbm>> -> memref<1x2048xi32, #tpu.memory_space<hbm>>
      %dma_wait3A_48 = tpu.memref_squeeze %dma_wait3A_47 : memref<1x2048xi32, #tpu.memory_space<hbm>> -> memref<2048xi32, #tpu.memory_space<hbm>>
      %dma_wait3A_49 = arith.constant 0 : i32
      %dma_wait3A_50 = tpu.memref_slice %arg3[%add3A, %dma_wait3A_49] : memref<32x2048xi32, #tpu.memory_space<hbm>> -> memref<1x2048xi32, #tpu.memory_space<hbm>>
      %dma_wait3A_51 = tpu.memref_squeeze %dma_wait3A_50 : memref<1x2048xi32, #tpu.memory_space<hbm>> -> memref<2048xi32, #tpu.memory_space<hbm>>
      tpu.wait_dma2 semaphore(%run_scoped3A : memref<!tpu.dma_semaphore, #tpu.memory_space<semaphore_mem>>) src(%dma_wait3A_51 : memref<2048xi32, #tpu.memory_space<hbm>>) dst(%arg6 : memref<2048xi32, #tpu.memory_space<vmem>>)
      tpu.yield
    }) : () -> ()
    %iota3A = tpu.iota {dimensions = array<i32: 0>} : vector<16xi32>
    %shift_right_logical3A = arith.constant 3 : i32
    %shift_right_logical3A_33 = vector.broadcast %shift_right_logical3A : i32 to vector<16xi32>
    %shift_right_logical3A_34 = arith.shrui %iota3A, %shift_right_logical3A_33 : vector<16xi32>
    %broadcast_in_dim3A = arith.constant 0.000000e+00 : f32
    %broadcast_in_dim3A_35 = vector.broadcast %broadcast_in_dim3A : f32 to vector<16xf32>
    %scan3A = arith.constant 0 : i32
    %scan3A_36 = arith.constant 128 : i32
    %scan3A_37 = arith.addi %scan3A, %scan3A_36 : i32
    %scan3A_38 = arith.constant 1 : i32
    %scan3A_39 = scf.for %scan3A_42 = %scan3A to %scan3A_37 step %scan3A_38 iter_args(%scan3A_43 = %broadcast_in_dim3A_35) -> (vector<16xf32>)  : i32 {
      %mul3A_44 = arith.constant 16 : i32
      %mul3A_45 = arith.muli %scan3A_42, %mul3A_44 : i32
      %get3A = arith.index_cast %mul3A_45 : i32 to index
      %get3A_46 = tpu.vector_load %arg6[%get3A] {strides = array<i32>} : memref<2048xi32, #tpu.memory_space<vmem>>, vector<16xi32>,
      %broadcast_in_dim3A_47 = vector.broadcast %mul3A_32 : i32 to vector<16xi32>
      %mul3A_48 = arith.constant 2 : i32
      %mul3A_49 = arith.muli %mul3A_48, %scan3A_42 : i32
      %add3A_50 = vector.broadcast %mul3A_49 : i32 to vector<16xi32>
      %add3A_51 = arith.addi %broadcast_in_dim3A_47, %add3A_50 : vector<16xi32>
      %add3A_52 = arith.addi %add3A_51, %shift_right_logical3A_34 : vector<16xi32>
      %broadcast_in_dim3A_53 = arith.constant 0 : i32
      %broadcast_in_dim3A_54 = vector.broadcast %broadcast_in_dim3A_53 : i32 to vector<16xi32>
      %gather3A = tpu.vector_load_idx %arg5[%get3A_46, %broadcast_in_dim3A_54] : memref<4096x16xf32, #tpu.memory_space<vmem>>[vector<16xi32>, vector<16xi32>], vector<16xf32>,
      %gather3A_55 = tpu.vector_load_idx %arg5[%add3A_52, %broadcast_in_dim3A_54] : memref<4096x16xf32, #tpu.memory_space<vmem>>[vector<16xi32>, vector<16xi32>], vector<16xf32>,
      %sub3A_56 = arith.subf %gather3A_55, %gather3A : vector<16xf32>
      %abs3A = math.absf %sub3A_56 : vector<16xf32>
      %add3A_57 = arith.addf %scan3A_43, %abs3A : vector<16xf32>
      %broadcast_in_dim3A_58 = arith.constant 1 : i32
      %broadcast_in_dim3A_59 = vector.broadcast %broadcast_in_dim3A_58 : i32 to vector<16xi32>
      %gather3A_60 = tpu.vector_load_idx %arg5[%get3A_46, %broadcast_in_dim3A_59] : memref<4096x16xf32, #tpu.memory_space<vmem>>[vector<16xi32>, vector<16xi32>], vector<16xf32>,
      %gather3A_61 = tpu.vector_load_idx %arg5[%add3A_52, %broadcast_in_dim3A_59] : memref<4096x16xf32, #tpu.memory_space<vmem>>[vector<16xi32>, vector<16xi32>], vector<16xf32>,
      %sub3A_62 = arith.subf %gather3A_61, %gather3A_60 : vector<16xf32>
      %abs3A_63 = math.absf %sub3A_62 : vector<16xf32>
      %add3A_64 = arith.addf %add3A_57, %abs3A_63 : vector<16xf32>
      %broadcast_in_dim3A_65 = arith.constant 2 : i32
      %broadcast_in_dim3A_66 = vector.broadcast %broadcast_in_dim3A_65 : i32 to vector<16xi32>
      %gather3A_67 = tpu.vector_load_idx %arg5[%get3A_46, %broadcast_in_dim3A_66] : memref<4096x16xf32, #tpu.memory_space<vmem>>[vector<16xi32>, vector<16xi32>], vector<16xf32>,
      %gather3A_68 = tpu.vector_load_idx %arg5[%add3A_52, %broadcast_in_dim3A_66] : memref<4096x16xf32, #tpu.memory_space<vmem>>[vector<16xi32>, vector<16xi32>], vector<16xf32>,
      %sub3A_69 = arith.subf %gather3A_68, %gather3A_67 : vector<16xf32>
      %abs3A_70 = math.absf %sub3A_69 : vector<16xf32>
      %add3A_71 = arith.addf %add3A_64, %abs3A_70 : vector<16xf32>
      %broadcast_in_dim3A_72 = arith.constant 3 : i32
      %broadcast_in_dim3A_73 = vector.broadcast %broadcast_in_dim3A_72 : i32 to vector<16xi32>
      %gather3A_74 = tpu.vector_load_idx %arg5[%get3A_46, %broadcast_in_dim3A_73] : memref<4096x16xf32, #tpu.memory_space<vmem>>[vector<16xi32>, vector<16xi32>], vector<16xf32>,
      %gather3A_75 = tpu.vector_load_idx %arg5[%add3A_52, %broadcast_in_dim3A_73] : memref<4096x16xf32, #tpu.memory_space<vmem>>[vector<16xi32>, vector<16xi32>], vector<16xf32>,
      %sub3A_76 = arith.subf %gather3A_75, %gather3A_74 : vector<16xf32>
      %abs3A_77 = math.absf %sub3A_76 : vector<16xf32>
      %add3A_78 = arith.addf %add3A_71, %abs3A_77 : vector<16xf32>
      %broadcast_in_dim3A_79 = arith.constant 4 : i32
      %broadcast_in_dim3A_80 = vector.broadcast %broadcast_in_dim3A_79 : i32 to vector<16xi32>
      %gather3A_81 = tpu.vector_load_idx %arg5[%get3A_46, %broadcast_in_dim3A_80] : memref<4096x16xf32, #tpu.memory_space<vmem>>[vector<16xi32>, vector<16xi32>], vector<16xf32>,
      %gather3A_82 = tpu.vector_load_idx %arg5[%add3A_52, %broadcast_in_dim3A_80] : memref<4096x16xf32, #tpu.memory_space<vmem>>[vector<16xi32>, vector<16xi32>], vector<16xf32>,
      %sub3A_83 = arith.subf %gather3A_82, %gather3A_81 : vector<16xf32>
      %abs3A_84 = math.absf %sub3A_83 : vector<16xf32>
      %add3A_85 = arith.addf %add3A_78, %abs3A_84 : vector<16xf32>
      %broadcast_in_dim3A_86 = arith.constant 5 : i32
      %broadcast_in_dim3A_87 = vector.broadcast %broadcast_in_dim3A_86 : i32 to vector<16xi32>
      %gather3A_88 = tpu.vector_load_idx %arg5[%get3A_46, %broadcast_in_dim3A_87] : memref<4096x16xf32, #tpu.memory_space<vmem>>[vector<16xi32>, vector<16xi32>], vector<16xf32>,
      %gather3A_89 = tpu.vector_load_idx %arg5[%add3A_52, %broadcast_in_dim3A_87] : memref<4096x16xf32, #tpu.memory_space<vmem>>[vector<16xi32>, vector<16xi32>], vector<16xf32>,
      %sub3A_90 = arith.subf %gather3A_89, %gather3A_88 : vector<16xf32>
      %abs3A_91 = math.absf %sub3A_90 : vector<16xf32>
      %add3A_92 = arith.addf %add3A_85, %abs3A_91 : vector<16xf32>
      %broadcast_in_dim3A_93 = arith.constant 6 : i32
      %broadcast_in_dim3A_94 = vector.broadcast %broadcast_in_dim3A_93 : i32 to vector<16xi32>
      %gather3A_95 = tpu.vector_load_idx %arg5[%get3A_46, %broadcast_in_dim3A_94] : memref<4096x16xf32, #tpu.memory_space<vmem>>[vector<16xi32>, vector<16xi32>], vector<16xf32>,
      %gather3A_96 = tpu.vector_load_idx %arg5[%add3A_52, %broadcast_in_dim3A_94] : memref<4096x16xf32, #tpu.memory_space<vmem>>[vector<16xi32>, vector<16xi32>], vector<16xf32>,
      %sub3A_97 = arith.subf %gather3A_96, %gather3A_95 : vector<16xf32>
      %abs3A_98 = math.absf %sub3A_97 : vector<16xf32>
      %add3A_99 = arith.addf %add3A_92, %abs3A_98 : vector<16xf32>
      %broadcast_in_dim3A_100 = arith.constant 7 : i32
      %broadcast_in_dim3A_101 = vector.broadcast %broadcast_in_dim3A_100 : i32 to vector<16xi32>
      %gather3A_102 = tpu.vector_load_idx %arg5[%get3A_46, %broadcast_in_dim3A_101] : memref<4096x16xf32, #tpu.memory_space<vmem>>[vector<16xi32>, vector<16xi32>], vector<16xf32>,
      %gather3A_103 = tpu.vector_load_idx %arg5[%add3A_52, %broadcast_in_dim3A_101] : memref<4096x16xf32, #tpu.memory_space<vmem>>[vector<16xi32>, vector<16xi32>], vector<16xf32>,
      %sub3A_104 = arith.subf %gather3A_103, %gather3A_102 : vector<16xf32>
      %abs3A_105 = math.absf %sub3A_104 : vector<16xf32>
      %add3A_106 = arith.addf %add3A_99, %abs3A_105 : vector<16xf32>
      %broadcast_in_dim3A_107 = arith.constant 8 : i32
      %broadcast_in_dim3A_108 = vector.broadcast %broadcast_in_dim3A_107 : i32 to vector<16xi32>
      %gather3A_109 = tpu.vector_load_idx %arg5[%get3A_46, %broadcast_in_dim3A_108] : memref<4096x16xf32, #tpu.memory_space<vmem>>[vector<16xi32>, vector<16xi32>], vector<16xf32>,
      %gather3A_110 = tpu.vector_load_idx %arg5[%add3A_52, %broadcast_in_dim3A_108] : memref<4096x16xf32, #tpu.memory_space<vmem>>[vector<16xi32>, vector<16xi32>], vector<16xf32>,
      %sub3A_111 = arith.subf %gather3A_110, %gather3A_109 : vector<16xf32>
      %abs3A_112 = math.absf %sub3A_111 : vector<16xf32>
      %add3A_113 = arith.addf %add3A_106, %abs3A_112 : vector<16xf32>
      %broadcast_in_dim3A_114 = arith.constant 9 : i32
      %broadcast_in_dim3A_115 = vector.broadcast %broadcast_in_dim3A_114 : i32 to vector<16xi32>
      %gather3A_116 = tpu.vector_load_idx %arg5[%get3A_46, %broadcast_in_dim3A_115] : memref<4096x16xf32, #tpu.memory_space<vmem>>[vector<16xi32>, vector<16xi32>], vector<16xf32>,
      %gather3A_117 = tpu.vector_load_idx %arg5[%add3A_52, %broadcast_in_dim3A_115] : memref<4096x16xf32, #tpu.memory_space<vmem>>[vector<16xi32>, vector<16xi32>], vector<16xf32>,
      %sub3A_118 = arith.subf %gather3A_117, %gather3A_116 : vector<16xf32>
      %abs3A_119 = math.absf %sub3A_118 : vector<16xf32>
      %add3A_120 = arith.addf %add3A_113, %abs3A_119 : vector<16xf32>
      %broadcast_in_dim3A_121 = arith.constant 10 : i32
      %broadcast_in_dim3A_122 = vector.broadcast %broadcast_in_dim3A_121 : i32 to vector<16xi32>
      %gather3A_123 = tpu.vector_load_idx %arg5[%get3A_46, %broadcast_in_dim3A_122] : memref<4096x16xf32, #tpu.memory_space<vmem>>[vector<16xi32>, vector<16xi32>], vector<16xf32>,
      %gather3A_124 = tpu.vector_load_idx %arg5[%add3A_52, %broadcast_in_dim3A_122] : memref<4096x16xf32, #tpu.memory_space<vmem>>[vector<16xi32>, vector<16xi32>], vector<16xf32>,
      %sub3A_125 = arith.subf %gather3A_124, %gather3A_123 : vector<16xf32>
      %abs3A_126 = math.absf %sub3A_125 : vector<16xf32>
      %add3A_127 = arith.addf %add3A_120, %abs3A_126 : vector<16xf32>
      %broadcast_in_dim3A_128 = arith.constant 11 : i32
      %broadcast_in_dim3A_129 = vector.broadcast %broadcast_in_dim3A_128 : i32 to vector<16xi32>
      %gather3A_130 = tpu.vector_load_idx %arg5[%get3A_46, %broadcast_in_dim3A_129] : memref<4096x16xf32, #tpu.memory_space<vmem>>[vector<16xi32>, vector<16xi32>], vector<16xf32>,
      %gather3A_131 = tpu.vector_load_idx %arg5[%add3A_52, %broadcast_in_dim3A_129] : memref<4096x16xf32, #tpu.memory_space<vmem>>[vector<16xi32>, vector<16xi32>], vector<16xf32>,
      %sub3A_132 = arith.subf %gather3A_131, %gather3A_130 : vector<16xf32>
      %abs3A_133 = math.absf %sub3A_132 : vector<16xf32>
      %add3A_134 = arith.addf %add3A_127, %abs3A_133 : vector<16xf32>
      %broadcast_in_dim3A_135 = arith.constant 12 : i32
      %broadcast_in_dim3A_136 = vector.broadcast %broadcast_in_dim3A_135 : i32 to vector<16xi32>
      %gather3A_137 = tpu.vector_load_idx %arg5[%get3A_46, %broadcast_in_dim3A_136] : memref<4096x16xf32, #tpu.memory_space<vmem>>[vector<16xi32>, vector<16xi32>], vector<16xf32>,
      %gather3A_138 = tpu.vector_load_idx %arg5[%add3A_52, %broadcast_in_dim3A_136] : memref<4096x16xf32, #tpu.memory_space<vmem>>[vector<16xi32>, vector<16xi32>], vector<16xf32>,
      %sub3A_139 = arith.subf %gather3A_138, %gather3A_137 : vector<16xf32>
      %abs3A_140 = math.absf %sub3A_139 : vector<16xf32>
      %add3A_141 = arith.addf %add3A_134, %abs3A_140 : vector<16xf32>
      %broadcast_in_dim3A_142 = arith.constant 13 : i32
      %broadcast_in_dim3A_143 = vector.broadcast %broadcast_in_dim3A_142 : i32 to vector<16xi32>
      %gather3A_144 = tpu.vector_load_idx %arg5[%get3A_46, %broadcast_in_dim3A_143] : memref<4096x16xf32, #tpu.memory_space<vmem>>[vector<16xi32>, vector<16xi32>], vector<16xf32>,
      %gather3A_145 = tpu.vector_load_idx %arg5[%add3A_52, %broadcast_in_dim3A_143] : memref<4096x16xf32, #tpu.memory_space<vmem>>[vector<16xi32>, vector<16xi32>], vector<16xf32>,
      %sub3A_146 = arith.subf %gather3A_145, %gather3A_144 : vector<16xf32>
      %abs3A_147 = math.absf %sub3A_146 : vector<16xf32>
      %add3A_148 = arith.addf %add3A_141, %abs3A_147 : vector<16xf32>
      %broadcast_in_dim3A_149 = arith.constant 14 : i32
      %broadcast_in_dim3A_150 = vector.broadcast %broadcast_in_dim3A_149 : i32 to vector<16xi32>
      %gather3A_151 = tpu.vector_load_idx %arg5[%get3A_46, %broadcast_in_dim3A_150] : memref<4096x16xf32, #tpu.memory_space<vmem>>[vector<16xi32>, vector<16xi32>], vector<16xf32>,
      %gather3A_152 = tpu.vector_load_idx %arg5[%add3A_52, %broadcast_in_dim3A_150] : memref<4096x16xf32, #tpu.memory_space<vmem>>[vector<16xi32>, vector<16xi32>], vector<16xf32>,
      %sub3A_153 = arith.subf %gather3A_152, %gather3A_151 : vector<16xf32>
      %abs3A_154 = math.absf %sub3A_153 : vector<16xf32>
      %add3A_155 = arith.addf %add3A_148, %abs3A_154 : vector<16xf32>
      %broadcast_in_dim3A_156 = arith.constant 15 : i32
      %broadcast_in_dim3A_157 = vector.broadcast %broadcast_in_dim3A_156 : i32 to vector<16xi32>
      %gather3A_158 = tpu.vector_load_idx %arg5[%get3A_46, %broadcast_in_dim3A_157] : memref<4096x16xf32, #tpu.memory_space<vmem>>[vector<16xi32>, vector<16xi32>], vector<16xf32>,
      %gather3A_159 = tpu.vector_load_idx %arg5[%add3A_52, %broadcast_in_dim3A_157] : memref<4096x16xf32, #tpu.memory_space<vmem>>[vector<16xi32>, vector<16xi32>], vector<16xf32>,
      %sub3A_160 = arith.subf %gather3A_159, %gather3A_158 : vector<16xf32>
      %abs3A_161 = math.absf %sub3A_160 : vector<16xf32>
      %add3A_162 = arith.addf %add3A_155, %abs3A_161 : vector<16xf32>
      scf.yield %add3A_162 : vector<16xf32>
    }
    %scan3A_40 = arith.constant 128 : i32
    %swap3A = arith.constant 0 : index
    %swap3A_41 = tpu.vector_load %arg7[%swap3A] {strides = array<i32>} : memref<16xf32, #tpu.memory_space<vmem>>, vector<16xf32>,
    tpu.vector_store %arg7[%swap3A], %scan3A_39 {strides = array<i32>} : memref<16xf32, #tpu.memory_space<vmem>>, vector<16xf32>,
    "tpu.region"() ({
      %run_scoped3A = tpu.sem_alloc : memref<!tpu.dma_semaphore, #tpu.memory_space<semaphore_mem>>
      %dma_start3A = arith.constant 0 : i32
      %dma_start3A_42 = tpu.memref_slice %arg4[%add3A, %dma_start3A] : memref<32x16xf32, #tpu.memory_space<hbm>> -> memref<1x16xf32, #tpu.memory_space<hbm>>
      %dma_start3A_43 = tpu.memref_squeeze %dma_start3A_42 : memref<1x16xf32, #tpu.memory_space<hbm>> -> memref<16xf32, #tpu.memory_space<hbm>>
      %dma_start3A_44 = arith.constant 0 : i32
      %dma_start3A_45 = tpu.memref_slice %arg4[%add3A, %dma_start3A_44] : memref<32x16xf32, #tpu.memory_space<hbm>> -> memref<1x16xf32, #tpu.memory_space<hbm>>
      %dma_start3A_46 = tpu.memref_squeeze %dma_start3A_45 : memref<1x16xf32, #tpu.memory_space<hbm>> -> memref<16xf32, #tpu.memory_space<hbm>>
      tpu.enqueue_dma source(%arg7 : memref<16xf32, #tpu.memory_space<vmem>>) target(%dma_start3A_46 : memref<16xf32, #tpu.memory_space<hbm>>) target_semaphore(%run_scoped3A : memref<!tpu.dma_semaphore, #tpu.memory_space<semaphore_mem>>)
      %dma_wait3A = arith.constant 0 : i32
      %dma_wait3A_47 = tpu.memref_slice %arg4[%add3A, %dma_wait3A] : memref<32x16xf32, #tpu.memory_space<hbm>> -> memref<1x16xf32, #tpu.memory_space<hbm>>
      %dma_wait3A_48 = tpu.memref_squeeze %dma_wait3A_47 : memref<1x16xf32, #tpu.memory_space<hbm>> -> memref<16xf32, #tpu.memory_space<hbm>>
      %dma_wait3A_49 = arith.constant 0 : i32
      %dma_wait3A_50 = tpu.memref_slice %arg4[%add3A, %dma_wait3A_49] : memref<32x16xf32, #tpu.memory_space<hbm>> -> memref<1x16xf32, #tpu.memory_space<hbm>>
      %dma_wait3A_51 = tpu.memref_squeeze %dma_wait3A_50 : memref<1x16xf32, #tpu.memory_space<hbm>> -> memref<16xf32, #tpu.memory_space<hbm>>
      tpu.wait_dma2 semaphore(%run_scoped3A : memref<!tpu.dma_semaphore, #tpu.memory_space<semaphore_mem>>) src(%arg7 : memref<16xf32, #tpu.memory_space<vmem>>) dst(%dma_wait3A_51 : memref<16xf32, #tpu.memory_space<hbm>>)
      tpu.yield
    }) : () -> ()
    return
  }
}

module attributes {stable_mosaic.version = 14 : i64} {
  func.func @_topk_kernel(%arg0: i32, %arg1: i32, %arg2: memref<1x1024x3xf32, #tpu.memory_space<vmem>>, %arg3: memref<1x4x4096xf32, #tpu.memory_space<vmem>>, %arg4: memref<1x4096xi32, #tpu.memory_space<vmem>>, %arg5: memref<1x1024x8xi32, #tpu.memory_space<vmem>>) attributes {dimension_semantics = [#tpu.dimension_semantics<arbitrary>, #tpu.dimension_semantics<arbitrary>], iteration_bounds = array<i64: 2, 4>, scalar_prefetch = 0 : i64, scratch_operands = 0 : i64, tpu.core_type = #tpu.core_type<tc>, window_params = [{transform_indices = @transform_0, window_bounds = array<i64: 1, 1024, 3>}, {transform_indices = @transform_1, window_bounds = array<i64: 1, 4, 4096>}, {pipeline_mode = #tpu.pipeline_mode<synchronous>, transform_indices = @transform_2, window_bounds = array<i64: 1, 4096>}, {transform_indices = @transform_3, window_bounds = array<i64: 1, 1024, 8>}]} {
    %get3A = arith.constant 0 : index
    %get3A_0 = arith.constant 0 : index
    %get3A_1 = arith.constant 0 : index
    %get3A_2 = vector.load %arg2[%get3A, %get3A_0, %get3A_1] : memref<1x1024x3xf32, #tpu.memory_space<vmem>>, vector<1x1024x3xf32>
    %get3A_3 = vector.shape_cast %get3A_2 : vector<1x1024x3xf32> to vector<1024x3xf32>
    %get3A_4 = arith.constant 0 : index
    %get3A_5 = arith.constant 0 : index
    %get3A_6 = arith.constant 0 : index
    %get3A_7 = vector.load %arg3[%get3A_4, %get3A_5, %get3A_6] : memref<1x4x4096xf32, #tpu.memory_space<vmem>>, vector<1x4x4096xf32>
    %get3A_8 = vector.shape_cast %get3A_7 : vector<1x4x4096xf32> to vector<4x4096xf32>
    %slice3A = vector.extract_strided_slice %get3A_8 {offsets = [0, 0], sizes = [3, 4096], strides = [1, 1]} : vector<4x4096xf32> to vector<3x4096xf32>
    %dot_general3A = arith.constant dense<0.000000e+00> : vector<1024x4096xf32>
    %dot_general3A_9 = tpu.matmul %get3A_3, %slice3A, %dot_general3A {dimension_numbers = #tpu.dot_dimension_numbers<[1], [0], [0], [1], [0, 0, 1, 1], [], []>, transpose_lhs_hint = false} : vector<1024x3xf32>, vector<3x4096xf32>, vector<1024x4096xf32> -> vector<1024x4096xf32>
    %mul3A = arith.mulf %get3A_3, %get3A_3 : vector<1024x3xf32>
    %reduce_sum3A = arith.constant dense<0.000000e+00> : vector<1024xf32>
    %reduce_sum3A_10 = vector.multi_reduction <add>, %mul3A, %reduce_sum3A [1] : vector<1024x3xf32> to vector<1024xf32>
    %broadcast_in_dim3A = vector.shape_cast %reduce_sum3A_10 : vector<1024xf32> to vector<1024x1xf32>
    %add3A = vector.broadcast %broadcast_in_dim3A : vector<1024x1xf32> to vector<1024x4096xf32>
    %add3A_11 = arith.addf %dot_general3A_9, %add3A : vector<1024x4096xf32>
    %slice3A_12 = vector.extract_strided_slice %get3A_8 {offsets = [3, 0], sizes = [1, 4096], strides = [1, 1]} : vector<4x4096xf32> to vector<1x4096xf32>
    %add3A_13 = vector.broadcast %slice3A_12 : vector<1x4096xf32> to vector<1024x4096xf32>
    %add3A_14 = arith.addf %add3A_11, %add3A_13 : vector<1024x4096xf32>
    %bitcast_convert_type3A = tpu.bitcast %add3A_14 : vector<1024x4096xf32> -> vector<1024x4096xi32>
    %and3A = arith.constant -4096 : i32
    %and3A_15 = vector.broadcast %and3A : i32 to vector<1024x4096xi32>
    %and3A_16 = arith.andi %bitcast_convert_type3A, %and3A_15 : vector<1024x4096xi32>
    %get3A_17 = arith.constant 0 : index
    %get3A_18 = arith.constant 0 : index
    %get3A_19 = vector.load %arg4[%get3A_17, %get3A_18] : memref<1x4096xi32, #tpu.memory_space<vmem>>, vector<1x4096xi32>
    %get3A_20 = vector.shape_cast %get3A_19 : vector<1x4096xi32> to vector<4096xi32>
    %broadcast_in_dim3A_21 = vector.shape_cast %get3A_20 : vector<4096xi32> to vector<1x4096xi32>
    %add3A_22 = vector.broadcast %broadcast_in_dim3A_21 : vector<1x4096xi32> to vector<1024x4096xi32>
    %add3A_23 = arith.addi %and3A_16, %add3A_22 : vector<1024x4096xi32>
    %bitcast_convert_type3A_24 = tpu.bitcast %add3A_23 : vector<1024x4096xi32> -> vector<1024x4096xf32>
    %slice3A_25 = vector.extract_strided_slice %bitcast_convert_type3A_24 {offsets = [0, 0], sizes = [1024, 128], strides = [1, 1]} : vector<1024x4096xf32> to vector<1024x128xf32>
    %broadcast_in_dim3A_26 = arith.constant 0x7F800000 : f32
    %broadcast_in_dim3A_27 = vector.broadcast %broadcast_in_dim3A_26 : f32 to vector<1024x128xf32>
    %slice3A_28 = vector.extract_strided_slice %bitcast_convert_type3A_24 {offsets = [0, 128], sizes = [1024, 128], strides = [1, 1]} : vector<1024x4096xf32> to vector<1024x128xf32>
    %max3A = arith.maximumf %slice3A_25, %slice3A_28 : vector<1024x128xf32>
    %min3A = arith.minimumf %slice3A_25, %slice3A_28 : vector<1024x128xf32>
    %min3A_29 = arith.minimumf %broadcast_in_dim3A_27, %max3A : vector<1024x128xf32>
    %slice3A_30 = vector.extract_strided_slice %bitcast_convert_type3A_24 {offsets = [0, 256], sizes = [1024, 128], strides = [1, 1]} : vector<1024x4096xf32> to vector<1024x128xf32>
    %max3A_31 = arith.maximumf %min3A, %slice3A_30 : vector<1024x128xf32>
    %min3A_32 = arith.minimumf %min3A, %slice3A_30 : vector<1024x128xf32>
    %min3A_33 = arith.minimumf %min3A_29, %max3A_31 : vector<1024x128xf32>
    %slice3A_34 = vector.extract_strided_slice %bitcast_convert_type3A_24 {offsets = [0, 384], sizes = [1024, 128], strides = [1, 1]} : vector<1024x4096xf32> to vector<1024x128xf32>
    %max3A_35 = arith.maximumf %min3A_32, %slice3A_34 : vector<1024x128xf32>
    %min3A_36 = arith.minimumf %min3A_32, %slice3A_34 : vector<1024x128xf32>
    %min3A_37 = arith.minimumf %min3A_33, %max3A_35 : vector<1024x128xf32>
    %slice3A_38 = vector.extract_strided_slice %bitcast_convert_type3A_24 {offsets = [0, 512], sizes = [1024, 128], strides = [1, 1]} : vector<1024x4096xf32> to vector<1024x128xf32>
    %max3A_39 = arith.maximumf %min3A_36, %slice3A_38 : vector<1024x128xf32>
    %min3A_40 = arith.minimumf %min3A_36, %slice3A_38 : vector<1024x128xf32>
    %min3A_41 = arith.minimumf %min3A_37, %max3A_39 : vector<1024x128xf32>
    %slice3A_42 = vector.extract_strided_slice %bitcast_convert_type3A_24 {offsets = [0, 640], sizes = [1024, 128], strides = [1, 1]} : vector<1024x4096xf32> to vector<1024x128xf32>
    %max3A_43 = arith.maximumf %min3A_40, %slice3A_42 : vector<1024x128xf32>
    %min3A_44 = arith.minimumf %min3A_40, %slice3A_42 : vector<1024x128xf32>
    %min3A_45 = arith.minimumf %min3A_41, %max3A_43 : vector<1024x128xf32>
    %slice3A_46 = vector.extract_strided_slice %bitcast_convert_type3A_24 {offsets = [0, 768], sizes = [1024, 128], strides = [1, 1]} : vector<1024x4096xf32> to vector<1024x128xf32>
    %max3A_47 = arith.maximumf %min3A_44, %slice3A_46 : vector<1024x128xf32>
    %min3A_48 = arith.minimumf %min3A_44, %slice3A_46 : vector<1024x128xf32>
    %min3A_49 = arith.minimumf %min3A_45, %max3A_47 : vector<1024x128xf32>
    %slice3A_50 = vector.extract_strided_slice %bitcast_convert_type3A_24 {offsets = [0, 896], sizes = [1024, 128], strides = [1, 1]} : vector<1024x4096xf32> to vector<1024x128xf32>
    %max3A_51 = arith.maximumf %min3A_48, %slice3A_50 : vector<1024x128xf32>
    %min3A_52 = arith.minimumf %min3A_48, %slice3A_50 : vector<1024x128xf32>
    %min3A_53 = arith.minimumf %min3A_49, %max3A_51 : vector<1024x128xf32>
    %slice3A_54 = vector.extract_strided_slice %bitcast_convert_type3A_24 {offsets = [0, 1024], sizes = [1024, 128], strides = [1, 1]} : vector<1024x4096xf32> to vector<1024x128xf32>
    %max3A_55 = arith.maximumf %min3A_52, %slice3A_54 : vector<1024x128xf32>
    %min3A_56 = arith.minimumf %min3A_52, %slice3A_54 : vector<1024x128xf32>
    %min3A_57 = arith.minimumf %min3A_53, %max3A_55 : vector<1024x128xf32>
    %slice3A_58 = vector.extract_strided_slice %bitcast_convert_type3A_24 {offsets = [0, 1152], sizes = [1024, 128], strides = [1, 1]} : vector<1024x4096xf32> to vector<1024x128xf32>
    %max3A_59 = arith.maximumf %min3A_56, %slice3A_58 : vector<1024x128xf32>
    %min3A_60 = arith.minimumf %min3A_56, %slice3A_58 : vector<1024x128xf32>
    %min3A_61 = arith.minimumf %min3A_57, %max3A_59 : vector<1024x128xf32>
    %slice3A_62 = vector.extract_strided_slice %bitcast_convert_type3A_24 {offsets = [0, 1280], sizes = [1024, 128], strides = [1, 1]} : vector<1024x4096xf32> to vector<1024x128xf32>
    %max3A_63 = arith.maximumf %min3A_60, %slice3A_62 : vector<1024x128xf32>
    %min3A_64 = arith.minimumf %min3A_60, %slice3A_62 : vector<1024x128xf32>
    %min3A_65 = arith.minimumf %min3A_61, %max3A_63 : vector<1024x128xf32>
    %slice3A_66 = vector.extract_strided_slice %bitcast_convert_type3A_24 {offsets = [0, 1408], sizes = [1024, 128], strides = [1, 1]} : vector<1024x4096xf32> to vector<1024x128xf32>
    %max3A_67 = arith.maximumf %min3A_64, %slice3A_66 : vector<1024x128xf32>
    %min3A_68 = arith.minimumf %min3A_64, %slice3A_66 : vector<1024x128xf32>
    %min3A_69 = arith.minimumf %min3A_65, %max3A_67 : vector<1024x128xf32>
    %slice3A_70 = vector.extract_strided_slice %bitcast_convert_type3A_24 {offsets = [0, 1536], sizes = [1024, 128], strides = [1, 1]} : vector<1024x4096xf32> to vector<1024x128xf32>
    %max3A_71 = arith.maximumf %min3A_68, %slice3A_70 : vector<1024x128xf32>
    %min3A_72 = arith.minimumf %min3A_68, %slice3A_70 : vector<1024x128xf32>
    %min3A_73 = arith.minimumf %min3A_69, %max3A_71 : vector<1024x128xf32>
    %slice3A_74 = vector.extract_strided_slice %bitcast_convert_type3A_24 {offsets = [0, 1664], sizes = [1024, 128], strides = [1, 1]} : vector<1024x4096xf32> to vector<1024x128xf32>
    %max3A_75 = arith.maximumf %min3A_72, %slice3A_74 : vector<1024x128xf32>
    %min3A_76 = arith.minimumf %min3A_72, %slice3A_74 : vector<1024x128xf32>
    %min3A_77 = arith.minimumf %min3A_73, %max3A_75 : vector<1024x128xf32>
    %slice3A_78 = vector.extract_strided_slice %bitcast_convert_type3A_24 {offsets = [0, 1792], sizes = [1024, 128], strides = [1, 1]} : vector<1024x4096xf32> to vector<1024x128xf32>
    %max3A_79 = arith.maximumf %min3A_76, %slice3A_78 : vector<1024x128xf32>
    %min3A_80 = arith.minimumf %min3A_76, %slice3A_78 : vector<1024x128xf32>
    %min3A_81 = arith.minimumf %min3A_77, %max3A_79 : vector<1024x128xf32>
    %slice3A_82 = vector.extract_strided_slice %bitcast_convert_type3A_24 {offsets = [0, 1920], sizes = [1024, 128], strides = [1, 1]} : vector<1024x4096xf32> to vector<1024x128xf32>
    %max3A_83 = arith.maximumf %min3A_80, %slice3A_82 : vector<1024x128xf32>
    %min3A_84 = arith.minimumf %min3A_80, %slice3A_82 : vector<1024x128xf32>
    %min3A_85 = arith.minimumf %min3A_81, %max3A_83 : vector<1024x128xf32>
    %slice3A_86 = vector.extract_strided_slice %bitcast_convert_type3A_24 {offsets = [0, 2048], sizes = [1024, 128], strides = [1, 1]} : vector<1024x4096xf32> to vector<1024x128xf32>
    %max3A_87 = arith.maximumf %min3A_84, %slice3A_86 : vector<1024x128xf32>
    %min3A_88 = arith.minimumf %min3A_84, %slice3A_86 : vector<1024x128xf32>
    %min3A_89 = arith.minimumf %min3A_85, %max3A_87 : vector<1024x128xf32>
    %slice3A_90 = vector.extract_strided_slice %bitcast_convert_type3A_24 {offsets = [0, 2176], sizes = [1024, 128], strides = [1, 1]} : vector<1024x4096xf32> to vector<1024x128xf32>
    %max3A_91 = arith.maximumf %min3A_88, %slice3A_90 : vector<1024x128xf32>
    %min3A_92 = arith.minimumf %min3A_88, %slice3A_90 : vector<1024x128xf32>
    %min3A_93 = arith.minimumf %min3A_89, %max3A_91 : vector<1024x128xf32>
    %slice3A_94 = vector.extract_strided_slice %bitcast_convert_type3A_24 {offsets = [0, 2304], sizes = [1024, 128], strides = [1, 1]} : vector<1024x4096xf32> to vector<1024x128xf32>
    %max3A_95 = arith.maximumf %min3A_92, %slice3A_94 : vector<1024x128xf32>
    %min3A_96 = arith.minimumf %min3A_92, %slice3A_94 : vector<1024x128xf32>
    %min3A_97 = arith.minimumf %min3A_93, %max3A_95 : vector<1024x128xf32>
    %slice3A_98 = vector.extract_strided_slice %bitcast_convert_type3A_24 {offsets = [0, 2432], sizes = [1024, 128], strides = [1, 1]} : vector<1024x4096xf32> to vector<1024x128xf32>
    %max3A_99 = arith.maximumf %min3A_96, %slice3A_98 : vector<1024x128xf32>
    %min3A_100 = arith.minimumf %min3A_96, %slice3A_98 : vector<1024x128xf32>
    %min3A_101 = arith.minimumf %min3A_97, %max3A_99 : vector<1024x128xf32>
    %slice3A_102 = vector.extract_strided_slice %bitcast_convert_type3A_24 {offsets = [0, 2560], sizes = [1024, 128], strides = [1, 1]} : vector<1024x4096xf32> to vector<1024x128xf32>
    %max3A_103 = arith.maximumf %min3A_100, %slice3A_102 : vector<1024x128xf32>
    %min3A_104 = arith.minimumf %min3A_100, %slice3A_102 : vector<1024x128xf32>
    %min3A_105 = arith.minimumf %min3A_101, %max3A_103 : vector<1024x128xf32>
    %slice3A_106 = vector.extract_strided_slice %bitcast_convert_type3A_24 {offsets = [0, 2688], sizes = [1024, 128], strides = [1, 1]} : vector<1024x4096xf32> to vector<1024x128xf32>
    %max3A_107 = arith.maximumf %min3A_104, %slice3A_106 : vector<1024x128xf32>
    %min3A_108 = arith.minimumf %min3A_104, %slice3A_106 : vector<1024x128xf32>
    %min3A_109 = arith.minimumf %min3A_105, %max3A_107 : vector<1024x128xf32>
    %slice3A_110 = vector.extract_strided_slice %bitcast_convert_type3A_24 {offsets = [0, 2816], sizes = [1024, 128], strides = [1, 1]} : vector<1024x4096xf32> to vector<1024x128xf32>
    %max3A_111 = arith.maximumf %min3A_108, %slice3A_110 : vector<1024x128xf32>
    %min3A_112 = arith.minimumf %min3A_108, %slice3A_110 : vector<1024x128xf32>
    %min3A_113 = arith.minimumf %min3A_109, %max3A_111 : vector<1024x128xf32>
    %slice3A_114 = vector.extract_strided_slice %bitcast_convert_type3A_24 {offsets = [0, 2944], sizes = [1024, 128], strides = [1, 1]} : vector<1024x4096xf32> to vector<1024x128xf32>
    %max3A_115 = arith.maximumf %min3A_112, %slice3A_114 : vector<1024x128xf32>
    %min3A_116 = arith.minimumf %min3A_112, %slice3A_114 : vector<1024x128xf32>
    %min3A_117 = arith.minimumf %min3A_113, %max3A_115 : vector<1024x128xf32>
    %slice3A_118 = vector.extract_strided_slice %bitcast_convert_type3A_24 {offsets = [0, 3072], sizes = [1024, 128], strides = [1, 1]} : vector<1024x4096xf32> to vector<1024x128xf32>
    %max3A_119 = arith.maximumf %min3A_116, %slice3A_118 : vector<1024x128xf32>
    %min3A_120 = arith.minimumf %min3A_116, %slice3A_118 : vector<1024x128xf32>
    %min3A_121 = arith.minimumf %min3A_117, %max3A_119 : vector<1024x128xf32>
    %slice3A_122 = vector.extract_strided_slice %bitcast_convert_type3A_24 {offsets = [0, 3200], sizes = [1024, 128], strides = [1, 1]} : vector<1024x4096xf32> to vector<1024x128xf32>
    %max3A_123 = arith.maximumf %min3A_120, %slice3A_122 : vector<1024x128xf32>
    %min3A_124 = arith.minimumf %min3A_120, %slice3A_122 : vector<1024x128xf32>
    %min3A_125 = arith.minimumf %min3A_121, %max3A_123 : vector<1024x128xf32>
    %slice3A_126 = vector.extract_strided_slice %bitcast_convert_type3A_24 {offsets = [0, 3328], sizes = [1024, 128], strides = [1, 1]} : vector<1024x4096xf32> to vector<1024x128xf32>
    %max3A_127 = arith.maximumf %min3A_124, %slice3A_126 : vector<1024x128xf32>
    %min3A_128 = arith.minimumf %min3A_124, %slice3A_126 : vector<1024x128xf32>
    %min3A_129 = arith.minimumf %min3A_125, %max3A_127 : vector<1024x128xf32>
    %slice3A_130 = vector.extract_strided_slice %bitcast_convert_type3A_24 {offsets = [0, 3456], sizes = [1024, 128], strides = [1, 1]} : vector<1024x4096xf32> to vector<1024x128xf32>
    %max3A_131 = arith.maximumf %min3A_128, %slice3A_130 : vector<1024x128xf32>
    %min3A_132 = arith.minimumf %min3A_128, %slice3A_130 : vector<1024x128xf32>
    %min3A_133 = arith.minimumf %min3A_129, %max3A_131 : vector<1024x128xf32>
    %slice3A_134 = vector.extract_strided_slice %bitcast_convert_type3A_24 {offsets = [0, 3584], sizes = [1024, 128], strides = [1, 1]} : vector<1024x4096xf32> to vector<1024x128xf32>
    %max3A_135 = arith.maximumf %min3A_132, %slice3A_134 : vector<1024x128xf32>
    %min3A_136 = arith.minimumf %min3A_132, %slice3A_134 : vector<1024x128xf32>
    %min3A_137 = arith.minimumf %min3A_133, %max3A_135 : vector<1024x128xf32>
    %slice3A_138 = vector.extract_strided_slice %bitcast_convert_type3A_24 {offsets = [0, 3712], sizes = [1024, 128], strides = [1, 1]} : vector<1024x4096xf32> to vector<1024x128xf32>
    %max3A_139 = arith.maximumf %min3A_136, %slice3A_138 : vector<1024x128xf32>
    %min3A_140 = arith.minimumf %min3A_136, %slice3A_138 : vector<1024x128xf32>
    %min3A_141 = arith.minimumf %min3A_137, %max3A_139 : vector<1024x128xf32>
    %slice3A_142 = vector.extract_strided_slice %bitcast_convert_type3A_24 {offsets = [0, 3840], sizes = [1024, 128], strides = [1, 1]} : vector<1024x4096xf32> to vector<1024x128xf32>
    %max3A_143 = arith.maximumf %min3A_140, %slice3A_142 : vector<1024x128xf32>
    %min3A_144 = arith.minimumf %min3A_140, %slice3A_142 : vector<1024x128xf32>
    %min3A_145 = arith.minimumf %min3A_141, %max3A_143 : vector<1024x128xf32>
    %slice3A_146 = vector.extract_strided_slice %bitcast_convert_type3A_24 {offsets = [0, 3968], sizes = [1024, 128], strides = [1, 1]} : vector<1024x4096xf32> to vector<1024x128xf32>
    %max3A_147 = arith.maximumf %min3A_144, %slice3A_146 : vector<1024x128xf32>
    %min3A_148 = arith.minimumf %min3A_144, %slice3A_146 : vector<1024x128xf32>
    %min3A_149 = arith.minimumf %min3A_145, %max3A_147 : vector<1024x128xf32>
    %concatenate3A = tpu.concatenate %min3A_148, %min3A_149 in 1 : vector<1024x128xf32>, vector<1024x128xf32> -> vector<1024x256xf32>
    %reduce_min3A = arith.constant dense<0x7F800000> : vector<1024xf32>
    %reduce_min3A_150 = vector.multi_reduction <minimumf>, %concatenate3A, %reduce_min3A [1] : vector<1024x256xf32> to vector<1024xf32>
    %broadcast_in_dim3A_151 = vector.shape_cast %reduce_min3A_150 : vector<1024xf32> to vector<1024x1xf32>
    %eq3A = vector.broadcast %broadcast_in_dim3A_151 : vector<1024x1xf32> to vector<1024x256xf32>
    %eq3A_152 = arith.cmpf oeq, %concatenate3A, %eq3A : vector<1024x256xf32>
    %jit3A = arith.constant 0x7F800000 : f32
    %broadcast_in_dim3A_153 = vector.broadcast %jit3A : f32 to vector<1024x256xf32>
    %select_n3A = arith.select %eq3A_152, %broadcast_in_dim3A_153, %concatenate3A : vector<1024x256xi1>, vector<1024x256xf32>
    %reduce_min3A_154 = arith.constant dense<0x7F800000> : vector<1024xf32>
    %reduce_min3A_155 = vector.multi_reduction <minimumf>, %select_n3A, %reduce_min3A_154 [1] : vector<1024x256xf32> to vector<1024xf32>
    %broadcast_in_dim3A_156 = vector.shape_cast %reduce_min3A_155 : vector<1024xf32> to vector<1024x1xf32>
    %eq3A_157 = vector.broadcast %broadcast_in_dim3A_156 : vector<1024x1xf32> to vector<1024x256xf32>
    %eq3A_158 = arith.cmpf oeq, %select_n3A, %eq3A_157 : vector<1024x256xf32>
    %jit3A_159 = arith.constant 0x7F800000 : f32
    %broadcast_in_dim3A_160 = vector.broadcast %jit3A_159 : f32 to vector<1024x256xf32>
    %select_n3A_161 = arith.select %eq3A_158, %broadcast_in_dim3A_160, %select_n3A : vector<1024x256xi1>, vector<1024x256xf32>
    %reduce_min3A_162 = arith.constant dense<0x7F800000> : vector<1024xf32>
    %reduce_min3A_163 = vector.multi_reduction <minimumf>, %select_n3A_161, %reduce_min3A_162 [1] : vector<1024x256xf32> to vector<1024xf32>
    %broadcast_in_dim3A_164 = vector.shape_cast %reduce_min3A_163 : vector<1024xf32> to vector<1024x1xf32>
    %eq3A_165 = vector.broadcast %broadcast_in_dim3A_164 : vector<1024x1xf32> to vector<1024x256xf32>
    %eq3A_166 = arith.cmpf oeq, %select_n3A_161, %eq3A_165 : vector<1024x256xf32>
    %jit3A_167 = arith.constant 0x7F800000 : f32
    %broadcast_in_dim3A_168 = vector.broadcast %jit3A_167 : f32 to vector<1024x256xf32>
    %select_n3A_169 = arith.select %eq3A_166, %broadcast_in_dim3A_168, %select_n3A_161 : vector<1024x256xi1>, vector<1024x256xf32>
    %reduce_min3A_170 = arith.constant dense<0x7F800000> : vector<1024xf32>
    %reduce_min3A_171 = vector.multi_reduction <minimumf>, %select_n3A_169, %reduce_min3A_170 [1] : vector<1024x256xf32> to vector<1024xf32>
    %broadcast_in_dim3A_172 = vector.shape_cast %reduce_min3A_171 : vector<1024xf32> to vector<1024x1xf32>
    %eq3A_173 = vector.broadcast %broadcast_in_dim3A_172 : vector<1024x1xf32> to vector<1024x256xf32>
    %eq3A_174 = arith.cmpf oeq, %select_n3A_169, %eq3A_173 : vector<1024x256xf32>
    %jit3A_175 = arith.constant 0x7F800000 : f32
    %broadcast_in_dim3A_176 = vector.broadcast %jit3A_175 : f32 to vector<1024x256xf32>
    %select_n3A_177 = arith.select %eq3A_174, %broadcast_in_dim3A_176, %select_n3A_169 : vector<1024x256xi1>, vector<1024x256xf32>
    %reduce_min3A_178 = arith.constant dense<0x7F800000> : vector<1024xf32>
    %reduce_min3A_179 = vector.multi_reduction <minimumf>, %select_n3A_177, %reduce_min3A_178 [1] : vector<1024x256xf32> to vector<1024xf32>
    %broadcast_in_dim3A_180 = vector.shape_cast %reduce_min3A_179 : vector<1024xf32> to vector<1024x1xf32>
    %eq3A_181 = vector.broadcast %broadcast_in_dim3A_180 : vector<1024x1xf32> to vector<1024x256xf32>
    %eq3A_182 = arith.cmpf oeq, %select_n3A_177, %eq3A_181 : vector<1024x256xf32>
    %jit3A_183 = arith.constant 0x7F800000 : f32
    %broadcast_in_dim3A_184 = vector.broadcast %jit3A_183 : f32 to vector<1024x256xf32>
    %select_n3A_185 = arith.select %eq3A_182, %broadcast_in_dim3A_184, %select_n3A_177 : vector<1024x256xi1>, vector<1024x256xf32>
    %reduce_min3A_186 = arith.constant dense<0x7F800000> : vector<1024xf32>
    %reduce_min3A_187 = vector.multi_reduction <minimumf>, %select_n3A_185, %reduce_min3A_186 [1] : vector<1024x256xf32> to vector<1024xf32>
    %broadcast_in_dim3A_188 = vector.shape_cast %reduce_min3A_187 : vector<1024xf32> to vector<1024x1xf32>
    %eq3A_189 = vector.broadcast %broadcast_in_dim3A_188 : vector<1024x1xf32> to vector<1024x256xf32>
    %eq3A_190 = arith.cmpf oeq, %select_n3A_185, %eq3A_189 : vector<1024x256xf32>
    %jit3A_191 = arith.constant 0x7F800000 : f32
    %broadcast_in_dim3A_192 = vector.broadcast %jit3A_191 : f32 to vector<1024x256xf32>
    %select_n3A_193 = arith.select %eq3A_190, %broadcast_in_dim3A_192, %select_n3A_185 : vector<1024x256xi1>, vector<1024x256xf32>
    %reduce_min3A_194 = arith.constant dense<0x7F800000> : vector<1024xf32>
    %reduce_min3A_195 = vector.multi_reduction <minimumf>, %select_n3A_193, %reduce_min3A_194 [1] : vector<1024x256xf32> to vector<1024xf32>
    %broadcast_in_dim3A_196 = vector.shape_cast %reduce_min3A_195 : vector<1024xf32> to vector<1024x1xf32>
    %eq3A_197 = vector.broadcast %broadcast_in_dim3A_196 : vector<1024x1xf32> to vector<1024x256xf32>
    %eq3A_198 = arith.cmpf oeq, %select_n3A_193, %eq3A_197 : vector<1024x256xf32>
    %jit3A_199 = arith.constant 0x7F800000 : f32
    %broadcast_in_dim3A_200 = vector.broadcast %jit3A_199 : f32 to vector<1024x256xf32>
    %select_n3A_201 = arith.select %eq3A_198, %broadcast_in_dim3A_200, %select_n3A_193 : vector<1024x256xi1>, vector<1024x256xf32>
    %reduce_min3A_202 = arith.constant dense<0x7F800000> : vector<1024xf32>
    %reduce_min3A_203 = vector.multi_reduction <minimumf>, %select_n3A_201, %reduce_min3A_202 [1] : vector<1024x256xf32> to vector<1024xf32>
    %broadcast_in_dim3A_204 = vector.shape_cast %reduce_min3A_203 : vector<1024xf32> to vector<1024x1xf32>
    %concatenate3A_205 = tpu.concatenate %broadcast_in_dim3A_151, %broadcast_in_dim3A_156, %broadcast_in_dim3A_164, %broadcast_in_dim3A_172, %broadcast_in_dim3A_180, %broadcast_in_dim3A_188, %broadcast_in_dim3A_196, %broadcast_in_dim3A_204 in 1 : vector<1024x1xf32>, vector<1024x1xf32>, vector<1024x1xf32>, vector<1024x1xf32>, vector<1024x1xf32>, vector<1024x1xf32>, vector<1024x1xf32>, vector<1024x1xf32> -> vector<1024x8xf32>
    %bitcast_convert_type3A_206 = tpu.bitcast %concatenate3A_205 : vector<1024x8xf32> -> vector<1024x8xi32>
    %sub3A = arith.constant 134217728 : i32
    %sub3A_207 = vector.broadcast %sub3A : i32 to vector<1024x8xi32>
    %sub3A_208 = arith.subi %bitcast_convert_type3A_206, %sub3A_207 : vector<1024x8xi32>
    %and3A_209 = arith.constant 4095 : i32
    %and3A_210 = vector.broadcast %and3A_209 : i32 to vector<1024x8xi32>
    %and3A_211 = arith.andi %sub3A_208, %and3A_210 : vector<1024x8xi32>
    %sub3A_212 = arith.subi %sub3A_208, %and3A_211 : vector<1024x8xi32>
    %bitcast_convert_type3A_213 = tpu.bitcast %sub3A_212 : vector<1024x8xi32> -> vector<1024x8xf32>
    %max3A_214 = arith.constant 0.000000e+00 : f32
    %max3A_215 = vector.broadcast %max3A_214 : f32 to vector<1024x8xf32>
    %max3A_216 = arith.maximumf %bitcast_convert_type3A_213, %max3A_215 : vector<1024x8xf32>
    %sqrt3A = math.sqrt %max3A_216 : vector<1024x8xf32>
    %gt3A = arith.constant 1.000000e-01 : f32
    %gt3A_217 = vector.broadcast %gt3A : f32 to vector<1024x8xf32>
    %gt3A_218 = arith.cmpf ogt, %sqrt3A, %gt3A_217 : vector<1024x8xf32>
    %slice3A_219 = vector.extract_strided_slice %and3A_211 {offsets = [0, 0], sizes = [1024, 1], strides = [1, 1]} : vector<1024x8xi32> to vector<1024x1xi32>
    %broadcast_in_dim3A_220 = vector.shape_cast %slice3A_219 : vector<1024x1xi32> to vector<1024x1xi32>
    %broadcast_in_dim3A_221 = vector.broadcast %broadcast_in_dim3A_220 : vector<1024x1xi32> to vector<1024x8xi32>
    %select_n3A_222 = arith.select %gt3A_218, %broadcast_in_dim3A_221, %and3A_211 : vector<1024x8xi1>, vector<1024x8xi32>
    %swap3A = arith.constant 0 : index
    %swap3A_223 = arith.constant 0 : index
    %swap3A_224 = arith.constant 0 : index
    %swap3A_225 = vector.load %arg5[%swap3A, %swap3A_223, %swap3A_224] : memref<1x1024x8xi32, #tpu.memory_space<vmem>>, vector<1x1024x8xi32>
    %swap3A_226 = vector.shape_cast %swap3A_225 : vector<1x1024x8xi32> to vector<1024x8xi32>
    %swap3A_227 = vector.shape_cast %select_n3A_222 : vector<1024x8xi32> to vector<1x1024x8xi32>
    tpu.vector_store %arg5[%swap3A, %swap3A_223, %swap3A_224], %swap3A_227 {strides = array<i32>} : memref<1x1024x8xi32, #tpu.memory_space<vmem>>, vector<1x1024x8xi32>,
    return
  }
  func.func @transform_0(%arg0: i32, %arg1: i32) -> (i32, i32, i32) {
    %c0_i32 = arith.constant 0 : i32
    %c0_i32_0 = arith.constant 0 : i32
    return %arg0, %arg1, %c0_i32 : i32, i32, i32
  }
  func.func @transform_1(%arg0: i32, %arg1: i32) -> (i32, i32, i32) {
    %c0_i32 = arith.constant 0 : i32
    %c0_i32_0 = arith.constant 0 : i32
    %c0_i32_1 = arith.constant 0 : i32
    return %arg0, %c0_i32, %c0_i32_0 : i32, i32, i32
  }
  func.func @transform_2(%arg0: i32, %arg1: i32) -> (i32, i32) {
    %c0_i32 = arith.constant 0 : i32
    %c0_i32_0 = arith.constant 0 : i32
    %c0_i32_1 = arith.constant 0 : i32
    return %c0_i32, %c0_i32_0 : i32, i32
  }
  func.func @transform_3(%arg0: i32, %arg1: i32) -> (i32, i32, i32) {
    %c0_i32 = arith.constant 0 : i32
    %c0_i32_0 = arith.constant 0 : i32
    return %arg0, %arg1, %c0_i32 : i32, i32, i32
  }
}

</mosaic_0001>

<sc_bundles>
// kernel: kernel.6.cloned.1.call-start
scs
__scs_entry_jumppad:
0x0: {  	(pc) =	sbr.rel $0x88, $3  }
0x1: {  	(tag) =	ssettag $0x0;
	lr =	simm.s32 $0x1  }
0x2: {  	[smem:$0x3F9F] =	sst lr;
	_ =	strace $0xD0000000  }
0x3: {  	_ = 	snop  }
0x4: {  	_ = 	snop  }
0x5: {  	_ = 	snop  }
0x6: {  	_ = 	snop  }
0x7: {  	_ = 	snop  }
__scs_overlays_trampoline_lowered:
0x8: {  	[smem:$0x3FAE] =	sst s0  }
0x9: {  	[smem:$0x3FAF] =	sst s1  }
0xa: {  	[smem:$0x3FB0] =	sst s2  }
0xb: {  	[smem:$0x3FB1] =	sst s3  }
0xc: {  	[smem:$0x3FB2] =	sst s4  }
0xd: {  	[smem:$0x3FB3] =	sst s5  }
0xe: {  	[smem:$0x3FB4] =	sst s6  }
0xf: {  	[smem:$0x3FB5] =	sst s7  }
0x10: {  	[smem:$0x3FB6] =	sst s8  }
0x11: {  	[smem:$0x3FB7] =	sst s9;
	s0 =	simm.s32 @!p0 $0x0  }
0x12: {  	s1 =	sld [smem:$0x3F9D];
	s0 =	simm.s32 @p0 $0x1  }
0x13: {  	[smem:$0x3FB8] =	sst s0;
	s0 =	simm.s32 @!p1 $0x0  }
0x14: {  	s2 =	sld [smem:$0x3F9C];
	s0 =	simm.s32 @p1 $0x1  }
0x15: {  	[smem:$0x3FB9] =	sst s0;
	s0 =	simm.s32 @!p2 $0x0  }
0x16: {  	s3 =	sld [smem:$0x3FDB];
	s0 =	simm.s32 @p2 $0x1  }
0x17: {  	s4 =	simm.s32 $0x1BF5;
	[smem:$0x3FBB] =	sst s0  }
0x18: {  	s0 =	sld [smem:$0x3F9E];
	_ =	swait.ge [sflag:s4], $0x0  }
0x19: {  	s7 =	sld [smem:$0x3F9F]  }
0x1a: {  	s8 =	sadd.s32 $0xFFFFE003, lr  }
0x1b: {  	s9 =	sadd.s32 $0xFFFFFEF7, lr;
	s5 =	simm.s32 $0xFFFFFFFF;
	p2 =	slt.u32 s8, $0xFFFFF086  }
0x1c: {  	p1 =	slt.u32 s9, $0xF7A;
	s5 =	simm.s32 @!p2 $0x0  }
0x1d: {  	s5 =	simm.s32 @p1 $0x1;
	p0 =	seq.s32 s7, s2  }
0x1e: {  	s7 =	smul.u32 @!p0 $0xF7A, s2;
	p2 =	seq.s32 @!p0 s5, $0x0  }
0x1f: {  	s9 =	smul.u32 $0xF7A, s1;
	s8 =	simm.s32 @!p0 $0x1BF5;
	p2 =	por !p2, p0  }
0x20: {  	[sflag:s8] =	ssyncset.s32 @!p0 $0xFFFFF086;
	s6 =	sadd.s32 @!p0 s3, s7;
	s7 =	simm.s32 @!p0 $0x108  }
0x21: {  	s3 =	sadd.s32 s3, s9;
	s6 =	sadd.s32 @!p0 $0x88, s6;
	s7 =	simm.s32 @p2 $0x1082  }
0x22: {  	[simem:s7], [sflag:s8] =	dma.local @!p0 [hbm:s6], $0xF7A  }
0x23: {  	s9 =	sor.u32 $0xD0000000, s2;
	s6 =	simm.s32 $0x108;
	_ =	swait.ge @!p0 [sflag:s8], $0x0  }
0x24: {  	s3 =	sadd.s32 $0x88, s3;
	s6 =	simm.s32 @!p1 $0x1082;
	[sflag:s4] =	ssyncset.s32 $0xFFFFF086  }
0x25: {  	[simem:s6], [sflag:s4] =	dma.local [hbm:s3], $0xF7A  }
0x26: {  	[smem:$0x3F9F] =	sst s1;
	(tag) =	ssettag s2;
	_ =	strace s9  }
0x27: {  	s1 =	sld [smem:$0x3FAF]  }
0x28: {  	s2 =	sld [smem:$0x3FB0]  }
0x29: {  	s4 =	sld [smem:$0x3FB2]  }
0x2a: {  	p0 =	seq.s32 s5, $0x0;
	s5 =	sld [smem:$0x3FB3]  }
0x2b: {  	s6 =	sld [smem:$0x3FB4]  }
0x2c: {  	s7 =	sld [smem:$0x3FB5]  }
0x2d: {  	s3 =	simm.s32 $0x108;
	s8 =	sld [smem:$0x3FB6]  }
0x2e: {  	s3 =	simm.s32 @!p0 $0x1082;
	s9 =	sld [smem:$0x3FB7]  }
0x2f: {  	lr =	sadd.s32 s0, s3;
	s0 =	sld [smem:$0x3FAE]  }
0x30: {  	s3 =	sld [smem:$0x3FB1]  }
0x31: {  	[smem:$0x3FBA] =	sst s10  }
0x32: {  	s10 =	sld [smem:$0x3FB8];
	_ =	sdelay $0x3  }
0x33: {  	p0 =	seq.s32 s10, $0x1;
	s10 =	sld [smem:$0x3FBA];
	_ =	sdelay $0x3  }
0x34: {  	[smem:$0x3FBA] =	sst s10  }
0x35: {  	s10 =	sld [smem:$0x3FB9];
	_ =	sdelay $0x3  }
0x36: {  	p1 =	seq.s32 s10, $0x1;
	s10 =	sld [smem:$0x3FBA];
	_ =	sdelay $0x3  }
0x37: {  	[smem:$0x3FBA] =	sst s10  }
0x38: {  	s10 =	sld [smem:$0x3FBB]  }
0x39: {  	_ = 	snop;
	(pc) =	sbr.ind lr, $3  }
0x3a: {  	_ = 	snop  }
0x3b: {  	_ = 	snop  }
0x3c: {  	p2 =	seq.s32 s10, $0x1;
	s10 =	sld [smem:$0x3FBA]  }
0x3d: {  	_ =	shalt  }
0x3e: {  	_ =	shalt  }
0x3f: {  	_ =	shalt  }
0x40: {  	_ =	shalt  }
0x41: {  	_ =	shalt  }
0x42: {  	_ =	shalt  }
0x43: {  	_ =	shalt  }
0x44: {  	_ =	shalt  }
0x45: {  	_ =	shalt  }
0x46: {  	_ =	shalt  }
0x47: {  	_ =	shalt  }
0x48: {  	_ =	shalt  }
0x49: {  	_ =	shalt  }
0x4a: {  	_ =	shalt  }
0x4b: {  	_ =	shalt  }
0x4c: {  	_ =	shalt  }
0x4d: {  	_ =	shalt  }
0x4e: {  	_ =	shalt  }
0x4f: {  	_ =	shalt  }
0x50: {  	_ =	shalt  }
0x51: {  	_ =	shalt  }
0x52: {  	_ =	shalt  }
0x53: {  	_ =	shalt  }
0x54: {  	_ =	shalt  }
0x55: {  	_ =	shalt  }
0x56: {  	_ =	shalt  }
0x57: {  	_ =	shalt  }
0x58: {  	_ =	shalt  }
0x59: {  	_ =	shalt  }
0x5a: {  	_ =	shalt  }
0x5b: {  	_ =	shalt  }
0x5c: {  	_ =	shalt  }
0x5d: {  	_ =	shalt  }
0x5e: {  	_ =	shalt  }
0x5f: {  	_ =	shalt  }
0x60: {  	_ =	shalt  }
0x61: {  	_ =	shalt  }
0x62: {  	_ =	shalt  }
0x63: {  	_ =	shalt  }
0x64: {  	_ =	shalt  }
0x65: {  	_ =	shalt  }
0x66: {  	_ =	shalt  }
0x67: {  	_ =	shalt  }
0x68: {  	_ =	shalt  }
0x69: {  	_ =	shalt  }
0x6a: {  	_ =	shalt  }
0x6b: {  	_ =	shalt  }
0x6c: {  	_ =	shalt  }
0x6d: {  	_ =	shalt  }
0x6e: {  	_ =	shalt  }
0x6f: {  	_ =	shalt  }
0x70: {  	_ =	shalt  }
0x71: {  	_ =	shalt  }
0x72: {  	_ =	shalt  }
0x73: {  	_ =	shalt  }
0x74: {  	_ =	shalt  }
0x75: {  	_ =	shalt  }
0x76: {  	_ =	shalt  }
0x77: {  	_ =	shalt  }
0x78: {  	_ =	shalt  }
0x79: {  	_ =	shalt  }
0x7a: {  	_ =	shalt  }
0x7b: {  	_ =	shalt  }
0x7c: {  	_ =	shalt  }
0x7d: {  	_ =	shalt  }
0x7e: {  	_ =	shalt  }
0x7f: {  	_ =	shalt  }
0x80: {  	_ =	shalt  }
0x81: {  	_ =	shalt  }
0x82: {  	_ =	shalt  }
0x83: {  	_ =	shalt  }
0x84: {  	_ =	shalt  }
0x85: {  	_ =	shalt  }
0x86: {  	_ =	shalt  }
0x87: {  	_ =	shalt  }
.Lfunc_end0:
.L_simem_size_0:
called_computation_lowered:
.L_overlay_start_0:
0x88: {  	s2 =	sld [smem:$0x3FD9]  }
0x89: {  	s3 =	sld [smem:$0x3FFE];
	_ =	sdelay $0x1  }
0x8a: {  	s1 =	srdreg.scid  }
0x8b: {  	s0 =	sand.u32 $0x1, s1  }
0x8c: {  	s16 =	sshll.u32 s0, $0xA;
	s2 =	sadd.s32 s3, s2  }
0x8d: {  	s2 =	sadd.s32 s2, s16  }
0x8e: {  	[smem:$0x3FC6] =	sst s2  }
0x8f: {  	_ = 	snop  }
0x90: {  	(tm) =	ssettm $0x1  }
0x91: {  	s17 =	sld [smem:$0x3FFB];
	_ =	sdelay $0x3  }
0x92: {  	_ =	strace s17  }
0x93: {  	s2 =	sld [smem:$0x3FFC];
	_ =	sdelay $0x3  }
0x94: {  	_ =	strace s2  }
0x95: {  	s2 =	sld [smem:$0x3FFD];
	_ =	sdelay $0x3  }
0x96: {  	_ =	strace s2  }
0x97: {  	_ =	strace $0x8FFFFFFF  }
0x98: {  	s18 =	sld [smem:$0x3FDB];
	_ =	sdelay $0x1  }
0x99: {  	s19 =	simm.s32 $_scs_section_size  }
0x9a: {  	s4 =	simm.s32 $_size__tile_overlayer_lowered;
	s5 =	simm.s32 $_tile_overlayer_lowered  }
0x9b: {  	s22 =	simm.s32 $0x1BFF;
	s21 =	sshll.u32 s5, $0x1;
	s2 =	sadd.s32 s19, s18  }
0x9c: {  	s6 =	simm.s32 $0x0;
	s20 =	sshll.u32 s4, $0x1;
	s4 =	sadd.s32 s21, s2  }
0x9d: {  	[timem:s6], [sflag:s22] =	dma.local [hbm:s4], s20  }
0x9e: {  	_ =	swait.ge [sflag:s22], s20  }
0x9f: {  	s3 =	ssub.s32 $0x0, s20;
	[sflag:s22] =	ssyncset.done $0x0  }
0xa0: {  	[sflag:s22] =	ssyncadd.s32 s3;
	_ =	sdelay $0x1  }
0xa1: {  	s23 =	simm.s32 $0x1B8B  }
0xa2: {  	_ =	swait.ge [sflag:s23], $0x1  }
0xa3: {  	[sflag:s23] =	ssyncset.done $0x0  }
0xa4: {  	s25 =	simm.s32 $0x1B8E;
	s24 =	sld [smem:$0x3FFE];
	[sflag:s23] =	ssyncadd.s32 $0xFFFFFFFF  }
0xa5: {  	s26 =	simm.s32 $execute0_lowered;
	[smem:$0x3FD2] =	sst s25  }
0xa6: {  	s4 =	sshll.u32 s26, $0x1;
	_ =	strace $0x80000046;
	[dreg:$0x1] =	wrdreg $0xFFFFFFFF  }
0xa7: {  	s28 =	simm.s32 $_size_execute0_lowered;
	s2 =	sadd.s32 s2, s4;
	[dreg:$0x0] =	wrdreg $0x0  }
0xa8: {  	s4 =	sshll.u32 s28, $0x1;
	[dreg:$0x2] =	wrdreg s2  }
0xa9: {  	[dreg:$0x3] =	wrdreg s4  }
0xaa: {  	[dreg:$0x4] =	wrdreg $0xC0  }
0xab: {  	_ =	task [dreg:s6], $0x5FFFF  }
0xac: {  	[dreg:$0x1] =	wrdreg $0xFFFFFFFF  }
0xad: {  	[dreg:$0x0] =	wrdreg $0x60  }
0xae: {  	[dreg:$0x2] =	wrdreg s24  }
0xaf: {  	[dreg:$0x3] =	wrdreg $0x9  }
0xb0: {  	_ =	task.clear_ibuf [dreg:s6], $0x4FFFF;
	_ =	strace $0x90000046  }
0xb1: {  	s29 =	simm.s32 $0x9;
	_ =	strace $0x80000048  }
0xb2: {  	_ =	swait.ge [sflag:s29], $0x1  }
0xb3: {  	[sflag:s29] =	ssyncadd.s32 $0xFFFFFFFF  }
0xb4: {  	_ =	strace $0x90000048  }
0xb5: {  	_ =	sfence  }
0xb6: {  	s30 =	sld [smem:$0x0];
	_ =	sdelay $0x2  }
0xb7: {  	s31 =	sshll.u32 s1, $0xD;
	s1 =	sshrl.u32 s1, $0x2  }
0xb8: {  	s3 =	sand.u32 $0x4000, s31;
	s1 =	sadd.s32 s1, s30  }
0xb9: {  	s0 =	sor.u32 s3, s0;
	s1 =	sshll.u32 s1, $0x11  }
0xba: {  	s0 =	sor.u32 s1, s0  }
0xbb: {  	s0 =	sadd.s32 $0x8F2B, s0  }
0xbc: {  	[sflag:s0] =	ssyncadd.remote.s32 $0x1  }
0xbd: {  	_ =	sfence.sel $0xFFFF  }
0xbe: {  	[dreg:$0x0] =	wrdreg $0xFFFFFFFF;
	(pc) =	sbr.abs _section_cstart, $3  }
0xbf: {  	[dreg:$0x1] =	wrdreg $0xFFFFFFFF  }
0xc0: {  	_ =	task.clear_ibuf [dreg:s6], $0x2FFFF;
	_ =	strace $0x9FFFFFFF  }
0xc1: {  	(tm) =	ssettm $0x7FFFFFFF  }
tec
execute0_lowered:
.L_overlay_start_1:
0x0: {  	(tag) =	ssettag $0x1  }
0x1: {  	s3 =	rddreg [dreg:$0x0]  }
0x2: {  	s0 =	rddreg [dreg:$0x1];
	s2 =	simm.s32 $0x0;
	s1 =	stileid.u32  }
0x3: {  	s5 =	srdreg.scid;
	s10 =	simm.s32 $0x0;
	[smem:$0x7FF] =	sst s2  }
0x4: {  	s4 =	sshll.u32 s1, $0xA;
	s5 =	sand.u32 $0x1, s5;
	s6 =	sshll.u32 s1, $0x1  }
0x5: {  	s4 =	sand.u32 $0x2000, s4;
	_ =	strace $0x80000047;
	s6 =	sor.u32 s5, s6  }
0x6: {  	s5 =	ssub.s32 $0x2, s5;
	s4 =	sadd.s32 s4, s3;
	s7 =	sshll.u32 s6, $0x8  }
0x7: {  	s6 =	sshll.u32 s6, $0x1;
	s31 =	sshrl.u32 s5, $0x1;
	s8 =	sadd.s32 s7, s3  }
0x8: {  	v0 =	vlaneseq.u32;
	s6 =	sadd.s32 s6, s3;
	s9 =	ssub.s32 s5, s31;
	s3 =	sand.u32 $0xF00, s7  }
0x9: {  	v0 =	vshrl.u32 v0, $0x3;
	s4 =	sadd.s32 $0x2600, s4;
	s5 =	sadd.s32 $0x600, s8;
	s6 =	sadd.s32 $0x6600, s6  }
0xa: {  	v0 =	vmul.u32 $0x10, v0;
	s7 =	smax.u32 s9, $0x1;
	s8 =	simm.s32 $0x1;
	s9 =	simm.s32 $0x10800  }
.LBB2_1:
0xb: {  	[tilespmem:s2], [sflag:$0x1] =	stream.linear.gather [hbm4b:s4+s2], $0x10000, $0x38;
	[tilespmem:$0x10810] =	vst v63  }
0xc: {  	_ =	swait.ge [sflag:s8], $0x10000  }
0xd: {  	[sflag:s8] =	ssyncset.done $0x0  }
0xe: {  	s11 =	simm.s32 $0x10000;
	[sflag:s8] =	ssyncadd.s32 $0xFFFF0000  }
0xf: {  	[tilespmem:s11], [sflag:$0x1] =	stream.linear.gather [hbm4b:s5+s2], $0x800, $0x38;
	[tilespmem:$0x10810] =	vst v63  }
0x10: {  	_ =	swait.ge [sflag:s8], $0x800  }
0x11: {  	[sflag:s8] =	ssyncset.done $0x0  }
0x12: {  	[sflag:s8] =	ssyncadd.s32 $0xFFFFF800  }
0x13: {  	s31 =	sadd.s32 $0x0, s3;
	v1 =	vld [tilespmem:s11+$0x0]  }
0x14: {  	v2 =	vmov s31  }
0x15: {  	v2 =	vshll.u32 v2, $0x4  }
0x16: {  	v3 =	vor.u32 v0, v2  }
0x17: {  	v4 =	vor.u32 $0x1, v3  }
0x18: {  	v2 =	vshll.u32 v1, $0x4  }
0x19: {  	v6 =	vor.u32 $0x2, v3  }
0x1a: {  	v5 =	vor.u32 $0x1, v2  }
0x1b: {  	v10 =	vor.u32 $0x3, v3;
	v7 =	vld.idx.msk [tilespmem:v3+s2+$0x0], $0xffff  }
0x1c: {  	v4 =	vld.idx.msk [tilespmem:v4+s2+$0x0], $0xffff;
	v8 =	vor.u32 $0x2, v2  }
0x1d: {  	v12 =	vor.u32 $0x4, v3;
	v9 =	vld.idx.msk [tilespmem:v2+s2+$0x0], $0xffff  }
0x1e: {  	v6 =	vld.idx.msk [tilespmem:v6+s2+$0x0], $0xffff;
	v11 =	vor.u32 $0x3, v2  }
0x1f: {  	v14 =	vor.u32 $0x5, v3;
	v5 =	vld.idx.msk [tilespmem:v5+s2+$0x0], $0xffff  }
0x20: {  	v10 =	vld.idx.msk [tilespmem:v10+s2+$0x0], $0xffff;
	v13 =	vor.u32 $0x4, v2  }
0x21: {  	v15 =	vor.u32 $0x5, v2;
	v8 =	vld.idx.msk [tilespmem:v8+s2+$0x0], $0xffff  }
0x22: {  	v12 =	vld.idx.msk [tilespmem:v12+s2+$0x0], $0xffff;
	v7 =	vsub.f32 v7, v9  }
0x23: {  	v16 =	vimm.f32 $0.0e+00;
	v9 =	vld.idx.msk [tilespmem:v11+s2+$0x0], $0xffff;
	v11 =	vor.u32 $0x6, v3  }
0x24: {  	v14 =	vld.idx.msk [tilespmem:v14+s2+$0x0], $0xffff;
	v17 =	vor.u32 $0x6, v2;
	v4 =	vsub.f32 v4, v5;
	v7 =	vand.u32 $0x7FFFFFFF, v7  }
0x25: {  	v5 =	vld.idx.msk [tilespmem:v13+s2+$0x0], $0xffff;
	v13 =	vor.u32 $0x7, v3;
	v7 =	vadd.f32 v7, v16  }
0x26: {  	s11 =	simm.s32 $0x10010;
	v6 =	vsub.f32 v6, v8;
	v8 =	vld.idx.msk [tilespmem:v15+s2+$0x0], $0xffff;
	v15 =	vor.u32 $0x8, v3;
	v4 =	vand.u32 $0x7FFFFFFF, v4  }
0x27: {  	v1 =	vld [tilespmem:s11+$0x0];
	v16 =	vor.u32 $0x7, v2;
	v4 =	vadd.f32 v4, v7  }
0x28: {  	v6 =	vand.u32 $0x7FFFFFFF, v6;
	v11 =	vld.idx.msk [tilespmem:v11+s2+$0x0], $0xffff;
	v7 =	vor.u32 $0x8, v2;
	v9 =	vsub.f32 v10, v9  }
0x29: {  	v10 =	vld.idx.msk [tilespmem:v17+s2+$0x0], $0xffff;
	v17 =	vor.u32 $0x9, v3;
	v4 =	vadd.f32 v6, v4  }
0x2a: {  	v6 =	vld.idx.msk [tilespmem:v13+s2+$0x0], $0xffff;
	v13 =	vor.u32 $0x9, v2;
	v9 =	vand.u32 $0x7FFFFFFF, v9  }
0x2b: {  	v5 =	vsub.f32 v12, v5;
	v4 =	vadd.f32 v9, v4;
	v9 =	vld.idx.msk [tilespmem:v15+s2+$0x0], $0xffff;
	v15 =	vor.u32 $0xA, v2  }
0x2c: {  	v8 =	vsub.f32 v14, v8;
	v12 =	vld.idx.msk [tilespmem:v16+s2+$0x0], $0xffff;
	v16 =	vor.u32 $0xA, v3  }
0x2d: {  	v18 =	vor.u32 $0xB, v3;
	v19 =	vor.u32 $0xB, v2;
	v5 =	vand.u32 $0x7FFFFFFF, v5;
	v14 =	vld.idx.msk [tilespmem:v7+s2+$0x0], $0xffff  }
0x2e: {  	v7 =	vld.idx.msk [tilespmem:v17+s2+$0x0], $0xffff;
	v4 =	vadd.f32 v5, v4;
	v5 =	vand.u32 $0x7FFFFFFF, v8;
	v8 =	vsub.f32 v11, v10  }
0x2f: {  	v20 =	vor.u32 $0xC, v3;
	v10 =	vld.idx.msk [tilespmem:v13+s2+$0x0], $0xffff  }
0x30: {  	v5 =	vadd.f32 v5, v4;
	v11 =	vand.u32 $0x7FFFFFFF, v8;
	v8 =	vld.idx.msk [tilespmem:v15+s2+$0x0], $0xffff;
	v15 =	vor.u32 $0xC, v2  }
0x31: {  	v4 =	vld.idx.msk [tilespmem:v16+s2+$0x0], $0xffff;
	v6 =	vsub.f32 v6, v12;
	v12 =	vor.u32 $0xD, v3  }
0x32: {  	v16 =	vadd.f32 v11, v5;
	v5 =	vld.idx.msk [tilespmem:v18+s2+$0x0], $0xffff;
	v11 =	vor.u32 $0xD, v2  }
0x33: {  	v13 =	vor.u32 $0xE, v3;
	v6 =	vand.u32 $0x7FFFFFFF, v6;
	v17 =	vsub.f32 v9, v14;
	v9 =	vld.idx.msk [tilespmem:v19+s2+$0x0], $0xffff  }
0x34: {  	s13 =	simm.s32 $0x2;
	s12 =	simm.s32 $0x4;
	v14 =	vor.u32 $0xE, v2;
	v16 =	vadd.f32 v6, v16;
	v6 =	vld.idx.msk [tilespmem:v20+s2+$0x0], $0xffff  }
.LBB2_2:
0x35: {  	p0 =	sne.s32 s12, $0xFE;
	s14 =	sadd.s32 s3, s13;
	v17 =	vand.u32 $0x7FFFFFFF, v17;
	v7 =	vsub.f32 v7, v10;
	v10 =	vld.idx.msk [tilespmem:v15+s2+$0x0], $0xffff;
	v15 =	vor.u32 $0xF, v3;
	s13 =	smov.u32 s12  }
0x36: {  	v3 =	vmov s14;
	v16 =	vadd.f32 v17, v16;
	v12 =	vld.idx.msk [tilespmem:v12+s2+$0x0], $0xffff;
	v17 =	vor.u32 $0xF, v2  }
0x37: {  	v4 =	vsub.f32 v4, v8;
	v2 =	vshll.u32 v3, $0x4;
	v7 =	vand.u32 $0x7FFFFFFF, v7;
	v8 =	vld.idx.msk [tilespmem:v11+s2+$0x0], $0xffff  }
0x38: {  	v3 =	vor.u32 v0, v2;
	v7 =	vadd.f32 v7, v16;
	v11 =	vld.idx.msk [tilespmem:v13+s2+$0x0], $0xffff  }
0x39: {  	v2 =	vshll.u32 v1, $0x4;
	v1 =	vand.u32 $0x7FFFFFFF, v4;
	v4 =	vsub.f32 v5, v9;
	v5 =	vld.idx.msk [tilespmem:v14+s2+$0x0], $0xffff  }
0x3a: {  	v9 =	vor.u32 $0x1, v3;
	v7 =	vadd.f32 v1, v7;
	v13 =	vld.idx.msk [tilespmem:v15+s2+$0x0], $0xffff  }
0x3b: {  	s11 =	sadd.s32 $0x10, s11;
	v14 =	vor.u32 $0x1, v2;
	v4 =	vand.u32 $0x7FFFFFFF, v4;
	v6 =	vsub.f32 v6, v10;
	v10 =	vld.idx.msk [tilespmem:v17+s2+$0x0], $0xffff  }
0x3c: {  	v15 =	vor.u32 $0x2, v3;
	v1 =	vld [tilespmem:s11+$0x0];
	v4 =	vadd.f32 v4, v7  }
0x3d: {  	v16 =	vor.u32 $0x2, v2;
	v6 =	vand.u32 $0x7FFFFFFF, v6;
	v8 =	vsub.f32 v12, v8;
	v7 =	vld.idx.msk [tilespmem:v3+s2+$0x0], $0xffff  }
0x3e: {  	v17 =	vor.u32 $0x3, v3;
	v12 =	vld.idx.msk [tilespmem:v2+s2+$0x0], $0xffff;
	v4 =	vadd.f32 v6, v4  }
0x3f: {  	v8 =	vand.u32 $0x7FFFFFFF, v8;
	v5 =	vsub.f32 v11, v5;
	v6 =	vld.idx.msk [tilespmem:v9+s2+$0x0], $0xffff;
	v9 =	vor.u32 $0x3, v2  }
0x40: {  	v11 =	vld.idx.msk [tilespmem:v14+s2+$0x0], $0xffff;
	v14 =	vor.u32 $0x4, v3;
	v4 =	vadd.f32 v8, v4  }
0x41: {  	v5 =	vand.u32 $0x7FFFFFFF, v5;
	v10 =	vsub.f32 v13, v10;
	v8 =	vld.idx.msk [tilespmem:v15+s2+$0x0], $0xffff;
	v15 =	vor.u32 $0x4, v2  }
0x42: {  	v13 =	vld.idx.msk [tilespmem:v16+s2+$0x0], $0xffff;
	v16 =	vor.u32 $0x5, v3;
	v4 =	vadd.f32 v5, v4  }
0x43: {  	v10 =	vand.u32 $0x7FFFFFFF, v10;
	v5 =	vld.idx.msk [tilespmem:v17+s2+$0x0], $0xffff;
	v17 =	vor.u32 $0x5, v2  }
0x44: {  	v7 =	vsub.f32 v7, v12;
	v12 =	vor.u32 $0x6, v3;
	v9 =	vld.idx.msk [tilespmem:v9+s2+$0x0], $0xffff;
	v4 =	vadd.f32 v10, v4  }
0x45: {  	v10 =	vld.idx.msk [tilespmem:v14+s2+$0x0], $0xffff;
	v14 =	vor.u32 $0x6, v2  }
0x46: {  	v7 =	vand.u32 $0x7FFFFFFF, v7;
	v6 =	vsub.f32 v6, v11;
	v11 =	vld.idx.msk [tilespmem:v15+s2+$0x0], $0xffff;
	v15 =	vor.u32 $0x7, v3  }
0x47: {  	v4 =	vadd.f32 v7, v4;
	v7 =	vld.idx.msk [tilespmem:v16+s2+$0x0], $0xffff;
	v16 =	vor.u32 $0x7, v2  }
0x48: {  	v6 =	vand.u32 $0x7FFFFFFF, v6;
	v8 =	vsub.f32 v8, v13;
	v13 =	vld.idx.msk [tilespmem:v17+s2+$0x0], $0xffff;
	v17 =	vor.u32 $0x8, v3  }
0x49: {  	v4 =	vadd.f32 v6, v4;
	v6 =	vld.idx.msk [tilespmem:v12+s2+$0x0], $0xffff;
	v12 =	vor.u32 $0x8, v2  }
0x4a: {  	v8 =	vand.u32 $0x7FFFFFFF, v8;
	v5 =	vsub.f32 v5, v9;
	v9 =	vld.idx.msk [tilespmem:v14+s2+$0x0], $0xffff;
	v14 =	vor.u32 $0x9, v3  }
0x4b: {  	v4 =	vadd.f32 v8, v4;
	v8 =	vld.idx.msk [tilespmem:v15+s2+$0x0], $0xffff;
	v15 =	vor.u32 $0x9, v2  }
0x4c: {  	v5 =	vand.u32 $0x7FFFFFFF, v5;
	v10 =	vsub.f32 v10, v11;
	v11 =	vld.idx.msk [tilespmem:v16+s2+$0x0], $0xffff;
	v16 =	vor.u32 $0xA, v3  }
0x4d: {  	v4 =	vadd.f32 v5, v4;
	v5 =	vor.u32 $0xA, v2;
	v17 =	vld.idx.msk [tilespmem:v17+s2+$0x0], $0xffff  }
0x4e: {  	v19 =	vor.u32 $0xB, v3;
	v10 =	vand.u32 $0x7FFFFFFF, v10;
	v13 =	vsub.f32 v7, v13;
	v18 =	vld.idx.msk [tilespmem:v12+s2+$0x0], $0xffff  }
0x4f: {  	v4 =	vadd.f32 v10, v4;
	v7 =	vld.idx.msk [tilespmem:v14+s2+$0x0], $0xffff;
	v14 =	vor.u32 $0xB, v2  }
0x50: {  	v20 =	vor.u32 $0xC, v3;
	v12 =	vand.u32 $0x7FFFFFFF, v13;
	v6 =	vsub.f32 v6, v9;
	v10 =	vld.idx.msk [tilespmem:v15+s2+$0x0], $0xffff  }
.Ltmp0:
0x51: {  	v9 =	vadd.f32 v12, v4;
	v15 =	vor.u32 $0xC, v2;
	v4 =	vld.idx.msk [tilespmem:v16+s2+$0x0], $0xffff;
	(pc) =	sbr.rel @p0 .LBB2_2-.Ltmp0, $4  }
0x52: {  	v12 =	vor.u32 $0xD, v3;
	v6 =	vand.u32 $0x7FFFFFFF, v6;
	v13 =	vsub.f32 v8, v11;
	v8 =	vld.idx.msk [tilespmem:v5+s2+$0x0], $0xffff  }
0x53: {  	v11 =	vor.u32 $0xD, v2;
	v6 =	vadd.f32 v6, v9;
	v5 =	vld.idx.msk [tilespmem:v19+s2+$0x0], $0xffff  }
0x54: {  	v16 =	vand.u32 $0x7FFFFFFF, v13;
	v17 =	vsub.f32 v17, v18;
	v13 =	vor.u32 $0xE, v3;
	v9 =	vld.idx.msk [tilespmem:v14+s2+$0x0], $0xffff  }
0x55: {  	s12 =	sadd.s32 $0x2, s12;
	v16 =	vadd.f32 v16, v6;
	v14 =	vor.u32 $0xE, v2;
	v6 =	vld.idx.msk [tilespmem:v20+s2+$0x0], $0xffff  }
0x56: {  	_ =	sdelay $0x2  }
0x57: {  	v17 =	vand.u32 $0x7FFFFFFF, v17;
	v7 =	vsub.f32 v7, v10  }
0x58: {  	s11 =	sadd.s32 s3, s13;
	v3 =	vor.u32 $0xF, v3;
	v49 =	vld.idx.msk [tilespmem:v15+s2+$0x0], $0xffff;
	v2 =	vor.u32 $0xF, v2;
	v16 =	vadd.f32 v17, v16  }
0x59: {  	v12 =	vld.idx.msk [tilespmem:v12+s2+$0x0], $0xffff;
	v50 =	vmov s11;
	v4 =	vsub.f32 v4, v8;
	v7 =	vand.u32 $0x7FFFFFFF, v7  }
0x5a: {  	v51 =	vld.idx.msk [tilespmem:v11+s2+$0x0], $0xffff;
	v1 =	vshll.u32 v1, $0x4;
	v15 =	vshll.u32 v50, $0x4;
	v7 =	vadd.f32 v7, v16  }
0x5b: {  	v13 =	vld.idx.msk [tilespmem:v13+s2+$0x0], $0xffff;
	v11 =	vor.u32 v0, v15;
	v4 =	vand.u32 $0x7FFFFFFF, v4;
	v5 =	vsub.f32 v5, v9  }
0x5c: {  	v52 =	vld.idx.msk [tilespmem:v14+s2+$0x0], $0xffff;
	v54 =	vor.u32 $0x1, v1;
	v4 =	vadd.f32 v4, v7  }
0x5d: {  	v53 =	vor.u32 $0x1, v11;
	v3 =	vld.idx.msk [tilespmem:v3+s2+$0x0], $0xffff;
	v5 =	vand.u32 $0x7FFFFFFF, v5;
	v6 =	vsub.f32 v6, v49  }
0x5e: {  	v55 =	vor.u32 $0x2, v11;
	v2 =	vld.idx.msk [tilespmem:v2+s2+$0x0], $0xffff;
	v4 =	vadd.f32 v5, v4  }
0x5f: {  	v57 =	vor.u32 $0x2, v1;
	v8 =	vsub.f32 v12, v51;
	v58 =	vld.idx.msk [tilespmem:v1+s2+$0x0], $0xffff;
	v6 =	vand.u32 $0x7FFFFFFF, v6  }
0x60: {  	v61 =	vor.u32 $0x3, v1;
	v56 =	vld.idx.msk [tilespmem:v11+s2+$0x0], $0xffff;
	v4 =	vadd.f32 v6, v4  }
0x61: {  	v59 =	vor.u32 $0x3, v11;
	v9 =	vsub.f32 v13, v52;
	v7 =	vld.idx.msk [tilespmem:v54+s2+$0x0], $0xffff;
	v8 =	vand.u32 $0x7FFFFFFF, v8  }
0x62: {  	v20 =	vor.u32 $0x4, v1;
	v60 =	vld.idx.msk [tilespmem:v53+s2+$0x0], $0xffff;
	v4 =	vadd.f32 v8, v4  }
0x63: {  	v62 =	vor.u32 $0x4, v11;
	v9 =	vand.u32 $0x7FFFFFFF, v9;
	v63 =	vld.idx.msk [tilespmem:v55+s2+$0x0], $0xffff;
	v2 =	vsub.f32 v3, v2  }
0x64: {  	v23 =	vor.u32 $0x5, v1;
	v3 =	vld.idx.msk [tilespmem:v57+s2+$0x0], $0xffff;
	v4 =	vadd.f32 v9, v4  }
0x65: {  	v21 =	vor.u32 $0x5, v11;
	v24 =	vld.idx.msk [tilespmem:v61+s2+$0x0], $0xffff;
	v2 =	vand.u32 $0x7FFFFFFF, v2;
	v5 =	vsub.f32 v56, v58  }
0x66: {  	v27 =	vor.u32 $0x6, v1;
	v22 =	vld.idx.msk [tilespmem:v59+s2+$0x0], $0xffff;
	v2 =	vadd.f32 v2, v4  }
0x67: {  	v25 =	vor.u32 $0x6, v11;
	v28 =	vld.idx.msk [tilespmem:v20+s2+$0x0], $0xffff;
	v6 =	vsub.f32 v60, v7;
	v5 =	vand.u32 $0x7FFFFFFF, v5  }
0x68: {  	v31 =	vor.u32 $0x7, v1;
	v26 =	vld.idx.msk [tilespmem:v62+s2+$0x0], $0xffff;
	v2 =	vadd.f32 v5, v2  }
0x69: {  	v29 =	vor.u32 $0x7, v11;
	v32 =	vld.idx.msk [tilespmem:v23+s2+$0x0], $0xffff;
	v3 =	vsub.f32 v63, v3;
	v6 =	vand.u32 $0x7FFFFFFF, v6  }
0x6a: {  	v35 =	vor.u32 $0x8, v1;
	v30 =	vld.idx.msk [tilespmem:v21+s2+$0x0], $0xffff;
	v2 =	vadd.f32 v6, v2  }
0x6b: {  	v33 =	vor.u32 $0x8, v11;
	v36 =	vld.idx.msk [tilespmem:v27+s2+$0x0], $0xffff;
	v9 =	vsub.f32 v22, v24;
	v3 =	vand.u32 $0x7FFFFFFF, v3  }
0x6c: {  	v38 =	vor.u32 $0x9, v1;
	v34 =	vld.idx.msk [tilespmem:v25+s2+$0x0], $0xffff;
	v2 =	vadd.f32 v3, v2  }
0x6d: {  	v37 =	vor.u32 $0x9, v11;
	v39 =	vld.idx.msk [tilespmem:v31+s2+$0x0], $0xffff;
	v4 =	vsub.f32 v26, v28;
	v9 =	vand.u32 $0x7FFFFFFF, v9  }
0x6e: {  	v42 =	vor.u32 $0xA, v1;
	v3 =	vld.idx.msk [tilespmem:v29+s2+$0x0], $0xffff;
	v2 =	vadd.f32 v9, v2  }
0x6f: {  	v40 =	vor.u32 $0xA, v11;
	v43 =	vld.idx.msk [tilespmem:v35+s2+$0x0], $0xffff;
	v4 =	vand.u32 $0x7FFFFFFF, v4;
	v5 =	vsub.f32 v30, v32  }
0x70: {  	v46 =	vor.u32 $0xB, v1;
	v41 =	vld.idx.msk [tilespmem:v33+s2+$0x0], $0xffff;
	v2 =	vadd.f32 v4, v2  }
0x71: {  	v44 =	vor.u32 $0xB, v11;
	v10 =	vld.idx.msk [tilespmem:v38+s2+$0x0], $0xffff;
	v5 =	vand.u32 $0x7FFFFFFF, v5;
	v6 =	vsub.f32 v34, v36  }
0x72: {  	v49 =	vor.u32 $0xC, v1;
	v45 =	vld.idx.msk [tilespmem:v37+s2+$0x0], $0xffff;
	v2 =	vadd.f32 v5, v2  }
0x73: {  	v47 =	vor.u32 $0xC, v11;
	v50 =	vld.idx.msk [tilespmem:v42+s2+$0x0], $0xffff;
	v6 =	vand.u32 $0x7FFFFFFF, v6;
	v3 =	vsub.f32 v3, v39  }
0x74: {  	v51 =	vor.u32 $0xD, v11;
	v48 =	vld.idx.msk [tilespmem:v40+s2+$0x0], $0xffff;
	v2 =	vadd.f32 v6, v2  }
0x75: {  	v54 =	vld.idx.msk [tilespmem:v46+s2+$0x0], $0xffff;
	v53 =	vor.u32 $0xD, v1;
	v8 =	vsub.f32 v41, v43;
	v3 =	vand.u32 $0x7FFFFFFF, v3  }
0x76: {  	v52 =	vld.idx.msk [tilespmem:v44+s2+$0x0], $0xffff;
	v55 =	vor.u32 $0xE, v11;
	v2 =	vadd.f32 v3, v2  }
0x77: {  	v57 =	vld.idx.msk [tilespmem:v49+s2+$0x0], $0xffff;
	v56 =	vor.u32 $0xE, v1;
	v8 =	vand.u32 $0x7FFFFFFF, v8;
	v4 =	vsub.f32 v45, v10  }
0x78: {  	v11 =	vor.u32 $0xF, v11;
	v3 =	vld.idx.msk [tilespmem:v47+s2+$0x0], $0xffff;
	v2 =	vadd.f32 v8, v2  }
0x79: {  	v58 =	vld.idx.msk [tilespmem:v51+s2+$0x0], $0xffff;
	v1 =	vor.u32 $0xF, v1;
	v4 =	vand.u32 $0x7FFFFFFF, v4;
	v5 =	vsub.f32 v48, v50  }
0x7a: {  	v59 =	vld.idx.msk [tilespmem:v53+s2+$0x0], $0xffff;
	v2 =	vadd.f32 v4, v2  }
0x7b: {  	v60 =	vld.idx.msk [tilespmem:v55+s2+$0x0], $0xffff;
	v5 =	vand.u32 $0x7FFFFFFF, v5;
	v6 =	vsub.f32 v52, v54  }
0x7c: {  	v61 =	vld.idx.msk [tilespmem:v56+s2+$0x0], $0xffff;
	v2 =	vadd.f32 v5, v2  }
0x7d: {  	v62 =	vld.idx.msk [tilespmem:v11+s2+$0x0], $0xffff;
	v6 =	vand.u32 $0x7FFFFFFF, v6;
	v3 =	vsub.f32 v3, v57  }
0x7e: {  	v1 =	vld.idx.msk [tilespmem:v1+s2+$0x0], $0xffff;
	v2 =	vadd.f32 v6, v2  }
0x7f: {  	v63 =	vsub.f32 v58, v59;
	v3 =	vand.u32 $0x7FFFFFFF, v3  }
0x80: {  	v2 =	vadd.f32 v3, v2  }
0x81: {  	v4 =	vsub.f32 v60, v61;
	v3 =	vand.u32 $0x7FFFFFFF, v63  }
0x82: {  	v2 =	vadd.f32 v3, v2  }
0x83: {  	v1 =	vsub.f32 v62, v1;
	v3 =	vand.u32 $0x7FFFFFFF, v4  }
0x84: {  	v2 =	vadd.f32 v3, v2  }
0x85: {  	v1 =	vand.u32 $0x7FFFFFFF, v1  }
0x86: {  	s10 =	sadd.s32 $0x1, s10;
	v1 =	vadd.f32 v1, v2  }
0x87: {  	p0 =	sne.s32 s10, s7  }
.Ltmp1:
0x88: {  	[tilespmem:$0x10800] =	vst v1;
	(pc) =	sbr.rel @p0 .LBB2_1-.Ltmp1, $4  }
0x89: {  	[hbm4b:s6+s2] =	stream.linear.scatter [tilespmem:s9], [sflag:$0x1], $0x10, $0x38;
	[tilespmem:$0x10810] =	vst v63  }
0x8a: {  	_ =	swait.ge [sflag:s8], $0x10  }
0x8b: {  	[sflag:s8] =	ssyncset.done $0x0  }
0x8c: {  	[sflag:s8] =	ssyncadd.s32 $0xFFFFFFF0  }
0x8d: {  	_ =	sfence.sel $0x180000  }
0x8e: {  	[bflag:$0x0] =	sbarrier.arrive $0xFFFF  }
0x8f: {  	p0 =	sne.s32 s1, $0x0;
	_ =	strace $0x90000047  }
0x90: {  	s0 =	sadd.s32 @!p0 $0x100000, s0;
	[bflag:$0x2] =	sbarrier.arrive $0xFFFF  }
0x91: {  	[sflag:s0] =	ssyncadd.tile.s32 @!p0 $0x1;
	_ =	shalt  }
.Lfunc_end2:
_tile_overlayer_lowered:
.L_overlay_start_2:
0x92: {  	(tag) =	ssettag $0x2  }
0x93: {  	s0 =	rddreg [dreg:$0x0];
	s2 =	stileid.u32  }
0x94: {  	s1 =	rddreg [dreg:$0x1];
	p0 =	sne.s32 s2, $0x0  }
0x95: {  	s3 =	rddreg [dreg:$0x2];
	[bflag:$0x3] =	sbarrier.arrive $0xFFFF;
	s2 =	simm.s32 @!p0 $0x1C01  }
0x96: {  	[timem:s3], [sflag:s2] =	dma.local @!p0 [hbm:s0], s1  }
0x97: {  	s0 =	simm.s32 @!p0 $0x1  }
0x98: {  	_ =	swait.ge @!p0 [sflag:s0], s1  }
0x99: {  	s1 =	ssub.s32 @!p0 $0x0, s1;
	[sflag:s0] =	ssyncset.done @!p0 $0x0  }
0x9a: {  	[sflag:s0] =	ssyncadd.s32 @!p0 s1  }
0x9b: {  	[bflag:$0x3] =	sbarrier.arrive $0xFFFF  }
0x9c: {  	_ =	shalt  }

// kernel: kernel.9.cloned.1.call-start
scs
__scs_entry_jumppad:
0x0: {  	(pc) =	sbr.rel $0x88, $3  }
0x1: {  	(tag) =	ssettag $0x0;
	lr =	simm.s32 $0x1  }
0x2: {  	[smem:$0x3F9F] =	sst lr;
	_ =	strace $0xD0000000  }
0x3: {  	_ = 	snop  }
0x4: {  	_ = 	snop  }
0x5: {  	_ = 	snop  }
0x6: {  	_ = 	snop  }
0x7: {  	_ = 	snop  }
__scs_overlays_trampoline_lowered:
0x8: {  	[smem:$0x3FAE] =	sst s0  }
0x9: {  	[smem:$0x3FAF] =	sst s1  }
0xa: {  	[smem:$0x3FB0] =	sst s2  }
0xb: {  	[smem:$0x3FB1] =	sst s3  }
0xc: {  	[smem:$0x3FB2] =	sst s4  }
0xd: {  	[smem:$0x3FB3] =	sst s5  }
0xe: {  	[smem:$0x3FB4] =	sst s6  }
0xf: {  	[smem:$0x3FB5] =	sst s7  }
0x10: {  	[smem:$0x3FB6] =	sst s8  }
0x11: {  	[smem:$0x3FB7] =	sst s9;
	s0 =	simm.s32 @!p0 $0x0  }
0x12: {  	s1 =	sld [smem:$0x3F9D];
	s0 =	simm.s32 @p0 $0x1  }
0x13: {  	[smem:$0x3FB8] =	sst s0;
	s0 =	simm.s32 @!p1 $0x0  }
0x14: {  	s2 =	sld [smem:$0x3F9C];
	s0 =	simm.s32 @p1 $0x1  }
0x15: {  	[smem:$0x3FB9] =	sst s0;
	s0 =	simm.s32 @!p2 $0x0  }
0x16: {  	s3 =	sld [smem:$0x3FDB];
	s0 =	simm.s32 @p2 $0x1  }
0x17: {  	s4 =	simm.s32 $0x1BF5;
	[smem:$0x3FBB] =	sst s0  }
0x18: {  	s0 =	sld [smem:$0x3F9E];
	_ =	swait.ge [sflag:s4], $0x0  }
0x19: {  	s7 =	sld [smem:$0x3F9F]  }
0x1a: {  	s8 =	sadd.s32 $0xFFFFE003, lr  }
0x1b: {  	s9 =	sadd.s32 $0xFFFFFEF7, lr;
	s5 =	simm.s32 $0xFFFFFFFF;
	p2 =	slt.u32 s8, $0xFFFFF086  }
0x1c: {  	p1 =	slt.u32 s9, $0xF7A;
	s5 =	simm.s32 @!p2 $0x0  }
0x1d: {  	s5 =	simm.s32 @p1 $0x1;
	p0 =	seq.s32 s7, s2  }
0x1e: {  	s7 =	smul.u32 @!p0 $0xF7A, s2;
	p2 =	seq.s32 @!p0 s5, $0x0  }
0x1f: {  	s9 =	smul.u32 $0xF7A, s1;
	s8 =	simm.s32 @!p0 $0x1BF5;
	p2 =	por !p2, p0  }
0x20: {  	[sflag:s8] =	ssyncset.s32 @!p0 $0xFFFFF086;
	s6 =	sadd.s32 @!p0 s3, s7;
	s7 =	simm.s32 @!p0 $0x108  }
0x21: {  	s3 =	sadd.s32 s3, s9;
	s6 =	sadd.s32 @!p0 $0x88, s6;
	s7 =	simm.s32 @p2 $0x1082  }
0x22: {  	[simem:s7], [sflag:s8] =	dma.local @!p0 [hbm:s6], $0xF7A  }
0x23: {  	s9 =	sor.u32 $0xD0000000, s2;
	s6 =	simm.s32 $0x108;
	_ =	swait.ge @!p0 [sflag:s8], $0x0  }
0x24: {  	s3 =	sadd.s32 $0x88, s3;
	s6 =	simm.s32 @!p1 $0x1082;
	[sflag:s4] =	ssyncset.s32 $0xFFFFF086  }
0x25: {  	[simem:s6], [sflag:s4] =	dma.local [hbm:s3], $0xF7A  }
0x26: {  	[smem:$0x3F9F] =	sst s1;
	(tag) =	ssettag s2;
	_ =	strace s9  }
0x27: {  	s1 =	sld [smem:$0x3FAF]  }
0x28: {  	s2 =	sld [smem:$0x3FB0]  }
0x29: {  	s4 =	sld [smem:$0x3FB2]  }
0x2a: {  	p0 =	seq.s32 s5, $0x0;
	s5 =	sld [smem:$0x3FB3]  }
0x2b: {  	s6 =	sld [smem:$0x3FB4]  }
0x2c: {  	s7 =	sld [smem:$0x3FB5]  }
0x2d: {  	s3 =	simm.s32 $0x108;
	s8 =	sld [smem:$0x3FB6]  }
0x2e: {  	s3 =	simm.s32 @!p0 $0x1082;
	s9 =	sld [smem:$0x3FB7]  }
0x2f: {  	lr =	sadd.s32 s0, s3;
	s0 =	sld [smem:$0x3FAE]  }
0x30: {  	s3 =	sld [smem:$0x3FB1]  }
0x31: {  	[smem:$0x3FBA] =	sst s10  }
0x32: {  	s10 =	sld [smem:$0x3FB8];
	_ =	sdelay $0x3  }
0x33: {  	p0 =	seq.s32 s10, $0x1;
	s10 =	sld [smem:$0x3FBA];
	_ =	sdelay $0x3  }
0x34: {  	[smem:$0x3FBA] =	sst s10  }
0x35: {  	s10 =	sld [smem:$0x3FB9];
	_ =	sdelay $0x3  }
0x36: {  	p1 =	seq.s32 s10, $0x1;
	s10 =	sld [smem:$0x3FBA];
	_ =	sdelay $0x3  }
0x37: {  	[smem:$0x3FBA] =	sst s10  }
0x38: {  	s10 =	sld [smem:$0x3FBB]  }
0x39: {  	_ = 	snop;
	(pc) =	sbr.ind lr, $3  }
0x3a: {  	_ = 	snop  }
0x3b: {  	_ = 	snop  }
0x3c: {  	p2 =	seq.s32 s10, $0x1;
	s10 =	sld [smem:$0x3FBA]  }
0x3d: {  	_ =	shalt  }
0x3e: {  	_ =	shalt  }
0x3f: {  	_ =	shalt  }
0x40: {  	_ =	shalt  }
0x41: {  	_ =	shalt  }
0x42: {  	_ =	shalt  }
0x43: {  	_ =	shalt  }
0x44: {  	_ =	shalt  }
0x45: {  	_ =	shalt  }
0x46: {  	_ =	shalt  }
0x47: {  	_ =	shalt  }
0x48: {  	_ =	shalt  }
0x49: {  	_ =	shalt  }
0x4a: {  	_ =	shalt  }
0x4b: {  	_ =	shalt  }
0x4c: {  	_ =	shalt  }
0x4d: {  	_ =	shalt  }
0x4e: {  	_ =	shalt  }
0x4f: {  	_ =	shalt  }
0x50: {  	_ =	shalt  }
0x51: {  	_ =	shalt  }
0x52: {  	_ =	shalt  }
0x53: {  	_ =	shalt  }
0x54: {  	_ =	shalt  }
0x55: {  	_ =	shalt  }
0x56: {  	_ =	shalt  }
0x57: {  	_ =	shalt  }
0x58: {  	_ =	shalt  }
0x59: {  	_ =	shalt  }
0x5a: {  	_ =	shalt  }
0x5b: {  	_ =	shalt  }
0x5c: {  	_ =	shalt  }
0x5d: {  	_ =	shalt  }
0x5e: {  	_ =	shalt  }
0x5f: {  	_ =	shalt  }
0x60: {  	_ =	shalt  }
0x61: {  	_ =	shalt  }
0x62: {  	_ =	shalt  }
0x63: {  	_ =	shalt  }
0x64: {  	_ =	shalt  }
0x65: {  	_ =	shalt  }
0x66: {  	_ =	shalt  }
0x67: {  	_ =	shalt  }
0x68: {  	_ =	shalt  }
0x69: {  	_ =	shalt  }
0x6a: {  	_ =	shalt  }
0x6b: {  	_ =	shalt  }
0x6c: {  	_ =	shalt  }
0x6d: {  	_ =	shalt  }
0x6e: {  	_ =	shalt  }
0x6f: {  	_ =	shalt  }
0x70: {  	_ =	shalt  }
0x71: {  	_ =	shalt  }
0x72: {  	_ =	shalt  }
0x73: {  	_ =	shalt  }
0x74: {  	_ =	shalt  }
0x75: {  	_ =	shalt  }
0x76: {  	_ =	shalt  }
0x77: {  	_ =	shalt  }
0x78: {  	_ =	shalt  }
0x79: {  	_ =	shalt  }
0x7a: {  	_ =	shalt  }
0x7b: {  	_ =	shalt  }
0x7c: {  	_ =	shalt  }
0x7d: {  	_ =	shalt  }
0x7e: {  	_ =	shalt  }
0x7f: {  	_ =	shalt  }
0x80: {  	_ =	shalt  }
0x81: {  	_ =	shalt  }
0x82: {  	_ =	shalt  }
0x83: {  	_ =	shalt  }
0x84: {  	_ =	shalt  }
0x85: {  	_ =	shalt  }
0x86: {  	_ =	shalt  }
0x87: {  	_ =	shalt  }
.Lfunc_end0:
.L_simem_size_0:
called_computation.1_lowered:
.L_overlay_start_0:
0x88: {  	s2 =	sld [smem:$0x3FD9]  }
0x89: {  	s3 =	sld [smem:$0x3FFE];
	_ =	sdelay $0x1  }
0x8a: {  	s1 =	srdreg.scid  }
0x8b: {  	s0 =	sand.u32 $0x1, s1  }
0x8c: {  	s17 =	sshll.u32 s0, $0xA;
	s2 =	sadd.s32 s3, s2  }
0x8d: {  	s2 =	sadd.s32 s2, s17  }
0x8e: {  	[smem:$0x3FC6] =	sst s2  }
0x8f: {  	_ = 	snop  }
0x90: {  	(tm) =	ssettm $0x1  }
0x91: {  	s18 =	sld [smem:$0x3FFB];
	_ =	sdelay $0x3  }
0x92: {  	_ =	strace s18  }
0x93: {  	s2 =	sld [smem:$0x3FFC];
	_ =	sdelay $0x3  }
0x94: {  	_ =	strace s2  }
0x95: {  	s2 =	sld [smem:$0x3FFD];
	_ =	sdelay $0x3  }
0x96: {  	_ =	strace s2  }
0x97: {  	_ =	strace $0x8FFFFFFF  }
0x98: {  	s19 =	sld [smem:$0x3FDB];
	_ =	sdelay $0x1  }
0x99: {  	s20 =	simm.s32 $_scs_section_size  }
0x9a: {  	s4 =	simm.s32 $_size__tile_overlayer_lowered;
	s5 =	simm.s32 $_tile_overlayer_lowered  }
0x9b: {  	s6 =	simm.s32 $0x1BFF;
	s21 =	sshll.u32 s5, $0x1;
	s3 =	sadd.s32 s20, s19  }
0x9c: {  	s22 =	simm.s32 $0x0;
	s4 =	sshll.u32 s4, $0x1;
	s5 =	sadd.s32 s21, s3  }
0x9d: {  	[timem:s22], [sflag:s6] =	dma.local [hbm:s5], s4  }
0x9e: {  	_ =	swait.ge [sflag:s6], s4  }
0x9f: {  	s4 =	ssub.s32 $0x0, s4;
	[sflag:s6] =	ssyncset.done $0x0  }
0xa0: {  	[sflag:s6] =	ssyncadd.s32 s4;
	_ =	sdelay $0x1  }
0xa1: {  	s23 =	simm.s32 $0x1B8B  }
0xa2: {  	_ =	swait.ge [sflag:s23], $0x1  }
0xa3: {  	[sflag:s23] =	ssyncset.done $0x0  }
0xa4: {  	[sflag:s23] =	ssyncadd.s32 $0xFFFFFFFF  }
0xa5: {  	s4 =	sld [smem:$0x0]  }
0xa6: {  	s5 =	sand.u32 $0xFFFFFFFE, s1  }
0xa7: {  	p0 =	sne.s32 s1, s5  }
0xa8: {  	s5 =	sshll.u32 @p0 s5, $0xE  }
0xa9: {  	s5 =	sadd.s32 @p0 $0x11B8D, s5;
	s6 =	sshll.u32 @p0 s4, $0x11  }
0xaa: {  	s5 =	sor.u32 @p0 s6, s5  }
0xab: {  	[sflag:s5] =	ssyncadd.remote.s32 @p0 $0x1;
	_ =	sdelay $0x1  }
0xac: {  	s5 =	simm.s32 @p0 $0x1B8D  }
0xad: {  	_ =	swait.eq @p0 [sflag:s5], $0x1  }
0xae: {  	[sflag:s5] =	ssyncadd.s32 @p0 $0xFFFFFFFF  }
0xaf: {  	s6 =	sshll.u32 @!p0 s1, $0xE  }
0xb0: {  	s6 =	sor.u32 @!p0 $0x4000, s6;
	s5 =	simm.s32 @!p0 $0x1B8D  }
0xb1: {  	s4 =	sshll.u32 @!p0 s4, $0x11;
	s6 =	sadd.s32 @!p0 $0x11B8D, s6;
	_ =	swait.eq @!p0 [sflag:s5], $0x1  }
0xb2: {  	s4 =	sor.u32 @!p0 s4, s6;
	[sflag:s5] =	ssyncadd.s32 @!p0 $0xFFFFFFFF  }
0xb3: {  	s25 =	simm.s32 $0x1B8E;
	s24 =	sld [smem:$0x3FFE];
	[sflag:s4] =	ssyncadd.remote.s32 @!p0 $0x1  }
0xb4: {  	s26 =	simm.s32 $execute0_lowered;
	[smem:$0x3FD2] =	sst s25  }
0xb5: {  	s5 =	sshll.u32 s26, $0x1;
	_ =	strace $0x80000049;
	[dreg:$0x1] =	wrdreg $0xFFFFFFFF  }
0xb6: {  	s28 =	simm.s32 $_size_execute0_lowered;
	s3 =	sadd.s32 s3, s5;
	[dreg:$0x0] =	wrdreg $0x0  }
0xb7: {  	s5 =	sshll.u32 s28, $0x1;
	[dreg:$0x2] =	wrdreg s3  }
0xb8: {  	[dreg:$0x3] =	wrdreg s5  }
0xb9: {  	[dreg:$0x4] =	wrdreg $0xC0  }
0xba: {  	_ =	task [dreg:s22], $0x5FFFF  }
0xbb: {  	[dreg:$0x1] =	wrdreg $0xFFFFFFFF  }
0xbc: {  	[dreg:$0x0] =	wrdreg $0x60  }
0xbd: {  	[dreg:$0x2] =	wrdreg s24  }
0xbe: {  	[dreg:$0x3] =	wrdreg $0xA  }
0xbf: {  	_ =	task.clear_ibuf [dreg:s22], $0x4FFFF;
	_ =	strace $0x90000049  }
0xc0: {  	s29 =	simm.s32 $0xA;
	_ =	strace $0x8000004B  }
0xc1: {  	_ =	swait.ge [sflag:s29], $0x1  }
0xc2: {  	[sflag:s29] =	ssyncadd.s32 $0xFFFFFFFF  }
0xc3: {  	_ =	strace $0x9000004B  }
0xc4: {  	_ =	sfence  }
0xc5: {  	s30 =	sld [smem:$0x0];
	_ =	sdelay $0x2  }
0xc6: {  	s31 =	sshll.u32 s1, $0xD;
	s1 =	sshrl.u32 s1, $0x2  }
0xc7: {  	s4 =	sand.u32 $0x4000, s31;
	s1 =	sadd.s32 s1, s30  }
0xc8: {  	s0 =	sor.u32 s4, s0;
	s1 =	sshll.u32 s1, $0x11  }
0xc9: {  	s0 =	sor.u32 s1, s0  }
0xca: {  	s0 =	sadd.s32 $0x8F2B, s0  }
0xcb: {  	[sflag:s0] =	ssyncadd.remote.s32 $0x1  }
0xcc: {  	_ =	sfence.sel $0xFFFF  }
0xcd: {  	[dreg:$0x0] =	wrdreg $0xFFFFFFFF;
	(pc) =	sbr.abs _section_cstart, $3  }
0xce: {  	[dreg:$0x1] =	wrdreg $0xFFFFFFFF  }
0xcf: {  	_ =	task.clear_ibuf [dreg:s22], $0x2FFFF;
	_ =	strace $0x9FFFFFFF  }
0xd0: {  	(tm) =	ssettm $0x7FFFFFFF  }
0xd1: {  	_ =	shalt  }
tec
execute0_lowered:
.L_overlay_start_1:
0x0: {  	(tag) =	ssettag $0x1  }
0x1: {  	s3 =	rddreg [dreg:$0x0]  }
0x2: {  	s0 =	rddreg [dreg:$0x1];
	s2 =	simm.s32 $0x0;
	s1 =	stileid.u32  }
0x3: {  	s5 =	srdreg.scid;
	s10 =	simm.s32 $0x0;
	[smem:$0x7FF] =	sst s2  }
0x4: {  	s4 =	sshll.u32 s1, $0xA;
	s5 =	sand.u32 $0x1, s5;
	s6 =	sshll.u32 s1, $0x1  }
0x5: {  	s4 =	sand.u32 $0x2000, s4;
	_ =	strace $0x8000004A;
	s6 =	sor.u32 s5, s6  }
0x6: {  	s5 =	ssub.s32 $0x2, s5;
	s4 =	sadd.s32 s4, s3;
	s7 =	sshll.u32 s6, $0x8  }
0x7: {  	s6 =	sshll.u32 s6, $0x1;
	s31 =	sshrl.u32 s5, $0x1;
	s8 =	sadd.s32 s7, s3  }
0x8: {  	v0 =	vlaneseq.u32;
	s6 =	sadd.s32 s6, s3;
	s9 =	ssub.s32 s5, s31;
	s3 =	sand.u32 $0xF00, s7  }
0x9: {  	v0 =	vshrl.u32 v0, $0x3;
	s4 =	sadd.s32 $0x8800, s4;
	s5 =	sadd.s32 $0x6800, s8;
	s6 =	sadd.s32 $0xC800, s6  }
0xa: {  	v0 =	vmul.u32 $0x10, v0;
	s7 =	smax.u32 s9, $0x1;
	s8 =	simm.s32 $0x1;
	s9 =	simm.s32 $0x10800  }
.LBB2_1:
0xb: {  	[tilespmem:s2], [sflag:$0x1] =	stream.linear.gather [hbm4b:s4+s2], $0x10000, $0x38;
	[tilespmem:$0x10810] =	vst v63  }
0xc: {  	_ =	swait.ge [sflag:s8], $0x10000  }
0xd: {  	[sflag:s8] =	ssyncset.done $0x0  }
0xe: {  	s11 =	simm.s32 $0x10000;
	[sflag:s8] =	ssyncadd.s32 $0xFFFF0000  }
0xf: {  	[tilespmem:s11], [sflag:$0x1] =	stream.linear.gather [hbm4b:s5+s2], $0x800, $0x38;
	[tilespmem:$0x10810] =	vst v63  }
0x10: {  	_ =	swait.ge [sflag:s8], $0x800  }
0x11: {  	[sflag:s8] =	ssyncset.done $0x0  }
0x12: {  	[sflag:s8] =	ssyncadd.s32 $0xFFFFF800  }
0x13: {  	s31 =	sadd.s32 $0x0, s3;
	v1 =	vld [tilespmem:s11+$0x0]  }
0x14: {  	v2 =	vmov s31  }
0x15: {  	v2 =	vshll.u32 v2, $0x4  }
0x16: {  	v3 =	vor.u32 v0, v2  }
0x17: {  	v4 =	vor.u32 $0x1, v3  }
0x18: {  	v2 =	vshll.u32 v1, $0x4  }
0x19: {  	v6 =	vor.u32 $0x2, v3  }
0x1a: {  	v5 =	vor.u32 $0x1, v2  }
0x1b: {  	v10 =	vor.u32 $0x3, v3;
	v7 =	vld.idx.msk [tilespmem:v3+s2+$0x0], $0xffff  }
0x1c: {  	v4 =	vld.idx.msk [tilespmem:v4+s2+$0x0], $0xffff;
	v8 =	vor.u32 $0x2, v2  }
0x1d: {  	v12 =	vor.u32 $0x4, v3;
	v9 =	vld.idx.msk [tilespmem:v2+s2+$0x0], $0xffff  }
0x1e: {  	v6 =	vld.idx.msk [tilespmem:v6+s2+$0x0], $0xffff;
	v11 =	vor.u32 $0x3, v2  }
0x1f: {  	v14 =	vor.u32 $0x5, v3;
	v5 =	vld.idx.msk [tilespmem:v5+s2+$0x0], $0xffff  }
0x20: {  	v10 =	vld.idx.msk [tilespmem:v10+s2+$0x0], $0xffff;
	v13 =	vor.u32 $0x4, v2  }
0x21: {  	v15 =	vor.u32 $0x5, v2;
	v8 =	vld.idx.msk [tilespmem:v8+s2+$0x0], $0xffff  }
0x22: {  	v12 =	vld.idx.msk [tilespmem:v12+s2+$0x0], $0xffff;
	v7 =	vsub.f32 v7, v9  }
0x23: {  	v16 =	vimm.f32 $0.0e+00;
	v9 =	vld.idx.msk [tilespmem:v11+s2+$0x0], $0xffff;
	v11 =	vor.u32 $0x6, v3  }
0x24: {  	v14 =	vld.idx.msk [tilespmem:v14+s2+$0x0], $0xffff;
	v17 =	vor.u32 $0x6, v2;
	v4 =	vsub.f32 v4, v5;
	v7 =	vand.u32 $0x7FFFFFFF, v7  }
0x25: {  	v5 =	vld.idx.msk [tilespmem:v13+s2+$0x0], $0xffff;
	v13 =	vor.u32 $0x7, v3;
	v7 =	vadd.f32 v7, v16  }
0x26: {  	s11 =	simm.s32 $0x10010;
	v6 =	vsub.f32 v6, v8;
	v8 =	vld.idx.msk [tilespmem:v15+s2+$0x0], $0xffff;
	v15 =	vor.u32 $0x8, v3;
	v4 =	vand.u32 $0x7FFFFFFF, v4  }
0x27: {  	v1 =	vld [tilespmem:s11+$0x0];
	v16 =	vor.u32 $0x7, v2;
	v4 =	vadd.f32 v4, v7  }
0x28: {  	v6 =	vand.u32 $0x7FFFFFFF, v6;
	v11 =	vld.idx.msk [tilespmem:v11+s2+$0x0], $0xffff;
	v7 =	vor.u32 $0x8, v2;
	v9 =	vsub.f32 v10, v9  }
0x29: {  	v10 =	vld.idx.msk [tilespmem:v17+s2+$0x0], $0xffff;
	v17 =	vor.u32 $0x9, v3;
	v4 =	vadd.f32 v6, v4  }
0x2a: {  	v6 =	vld.idx.msk [tilespmem:v13+s2+$0x0], $0xffff;
	v13 =	vor.u32 $0x9, v2;
	v9 =	vand.u32 $0x7FFFFFFF, v9  }
0x2b: {  	v5 =	vsub.f32 v12, v5;
	v4 =	vadd.f32 v9, v4;
	v9 =	vld.idx.msk [tilespmem:v15+s2+$0x0], $0xffff;
	v15 =	vor.u32 $0xA, v2  }
0x2c: {  	v8 =	vsub.f32 v14, v8;
	v12 =	vld.idx.msk [tilespmem:v16+s2+$0x0], $0xffff;
	v16 =	vor.u32 $0xA, v3  }
0x2d: {  	v18 =	vor.u32 $0xB, v3;
	v19 =	vor.u32 $0xB, v2;
	v5 =	vand.u32 $0x7FFFFFFF, v5;
	v14 =	vld.idx.msk [tilespmem:v7+s2+$0x0], $0xffff  }
0x2e: {  	v7 =	vld.idx.msk [tilespmem:v17+s2+$0x0], $0xffff;
	v4 =	vadd.f32 v5, v4;
	v5 =	vand.u32 $0x7FFFFFFF, v8;
	v8 =	vsub.f32 v11, v10  }
0x2f: {  	v20 =	vor.u32 $0xC, v3;
	v10 =	vld.idx.msk [tilespmem:v13+s2+$0x0], $0xffff  }
0x30: {  	v5 =	vadd.f32 v5, v4;
	v11 =	vand.u32 $0x7FFFFFFF, v8;
	v8 =	vld.idx.msk [tilespmem:v15+s2+$0x0], $0xffff;
	v15 =	vor.u32 $0xC, v2  }
0x31: {  	v4 =	vld.idx.msk [tilespmem:v16+s2+$0x0], $0xffff;
	v6 =	vsub.f32 v6, v12;
	v12 =	vor.u32 $0xD, v3  }
0x32: {  	v16 =	vadd.f32 v11, v5;
	v5 =	vld.idx.msk [tilespmem:v18+s2+$0x0], $0xffff;
	v11 =	vor.u32 $0xD, v2  }
0x33: {  	v13 =	vor.u32 $0xE, v3;
	v6 =	vand.u32 $0x7FFFFFFF, v6;
	v17 =	vsub.f32 v9, v14;
	v9 =	vld.idx.msk [tilespmem:v19+s2+$0x0], $0xffff  }
0x34: {  	s13 =	simm.s32 $0x2;
	s12 =	simm.s32 $0x4;
	v14 =	vor.u32 $0xE, v2;
	v16 =	vadd.f32 v6, v16;
	v6 =	vld.idx.msk [tilespmem:v20+s2+$0x0], $0xffff  }
.LBB2_2:
0x35: {  	p0 =	sne.s32 s12, $0xFE;
	s14 =	sadd.s32 s3, s13;
	v17 =	vand.u32 $0x7FFFFFFF, v17;
	v7 =	vsub.f32 v7, v10;
	v10 =	vld.idx.msk [tilespmem:v15+s2+$0x0], $0xffff;
	v15 =	vor.u32 $0xF, v3;
	s13 =	smov.u32 s12  }
0x36: {  	v3 =	vmov s14;
	v16 =	vadd.f32 v17, v16;
	v12 =	vld.idx.msk [tilespmem:v12+s2+$0x0], $0xffff;
	v17 =	vor.u32 $0xF, v2  }
0x37: {  	v4 =	vsub.f32 v4, v8;
	v2 =	vshll.u32 v3, $0x4;
	v7 =	vand.u32 $0x7FFFFFFF, v7;
	v8 =	vld.idx.msk [tilespmem:v11+s2+$0x0], $0xffff  }
0x38: {  	v3 =	vor.u32 v0, v2;
	v7 =	vadd.f32 v7, v16;
	v11 =	vld.idx.msk [tilespmem:v13+s2+$0x0], $0xffff  }
0x39: {  	v2 =	vshll.u32 v1, $0x4;
	v1 =	vand.u32 $0x7FFFFFFF, v4;
	v4 =	vsub.f32 v5, v9;
	v5 =	vld.idx.msk [tilespmem:v14+s2+$0x0], $0xffff  }
0x3a: {  	v9 =	vor.u32 $0x1, v3;
	v7 =	vadd.f32 v1, v7;
	v13 =	vld.idx.msk [tilespmem:v15+s2+$0x0], $0xffff  }
0x3b: {  	s11 =	sadd.s32 $0x10, s11;
	v14 =	vor.u32 $0x1, v2;
	v4 =	vand.u32 $0x7FFFFFFF, v4;
	v6 =	vsub.f32 v6, v10;
	v10 =	vld.idx.msk [tilespmem:v17+s2+$0x0], $0xffff  }
0x3c: {  	v15 =	vor.u32 $0x2, v3;
	v1 =	vld [tilespmem:s11+$0x0];
	v4 =	vadd.f32 v4, v7  }
0x3d: {  	v16 =	vor.u32 $0x2, v2;
	v6 =	vand.u32 $0x7FFFFFFF, v6;
	v8 =	vsub.f32 v12, v8;
	v7 =	vld.idx.msk [tilespmem:v3+s2+$0x0], $0xffff  }
0x3e: {  	v17 =	vor.u32 $0x3, v3;
	v12 =	vld.idx.msk [tilespmem:v2+s2+$0x0], $0xffff;
	v4 =	vadd.f32 v6, v4  }
0x3f: {  	v8 =	vand.u32 $0x7FFFFFFF, v8;
	v5 =	vsub.f32 v11, v5;
	v6 =	vld.idx.msk [tilespmem:v9+s2+$0x0], $0xffff;
	v9 =	vor.u32 $0x3, v2  }
0x40: {  	v11 =	vld.idx.msk [tilespmem:v14+s2+$0x0], $0xffff;
	v14 =	vor.u32 $0x4, v3;
	v4 =	vadd.f32 v8, v4  }
0x41: {  	v5 =	vand.u32 $0x7FFFFFFF, v5;
	v10 =	vsub.f32 v13, v10;
	v8 =	vld.idx.msk [tilespmem:v15+s2+$0x0], $0xffff;
	v15 =	vor.u32 $0x4, v2  }
0x42: {  	v13 =	vld.idx.msk [tilespmem:v16+s2+$0x0], $0xffff;
	v16 =	vor.u32 $0x5, v3;
	v4 =	vadd.f32 v5, v4  }
0x43: {  	v10 =	vand.u32 $0x7FFFFFFF, v10;
	v5 =	vld.idx.msk [tilespmem:v17+s2+$0x0], $0xffff;
	v17 =	vor.u32 $0x5, v2  }
0x44: {  	v7 =	vsub.f32 v7, v12;
	v12 =	vor.u32 $0x6, v3;
	v9 =	vld.idx.msk [tilespmem:v9+s2+$0x0], $0xffff;
	v4 =	vadd.f32 v10, v4  }
0x45: {  	v10 =	vld.idx.msk [tilespmem:v14+s2+$0x0], $0xffff;
	v14 =	vor.u32 $0x6, v2  }
0x46: {  	v7 =	vand.u32 $0x7FFFFFFF, v7;
	v6 =	vsub.f32 v6, v11;
	v11 =	vld.idx.msk [tilespmem:v15+s2+$0x0], $0xffff;
	v15 =	vor.u32 $0x7, v3  }
0x47: {  	v4 =	vadd.f32 v7, v4;
	v7 =	vld.idx.msk [tilespmem:v16+s2+$0x0], $0xffff;
	v16 =	vor.u32 $0x7, v2  }
0x48: {  	v6 =	vand.u32 $0x7FFFFFFF, v6;
	v8 =	vsub.f32 v8, v13;
	v13 =	vld.idx.msk [tilespmem:v17+s2+$0x0], $0xffff;
	v17 =	vor.u32 $0x8, v3  }
0x49: {  	v4 =	vadd.f32 v6, v4;
	v6 =	vld.idx.msk [tilespmem:v12+s2+$0x0], $0xffff;
	v12 =	vor.u32 $0x8, v2  }
0x4a: {  	v8 =	vand.u32 $0x7FFFFFFF, v8;
	v5 =	vsub.f32 v5, v9;
	v9 =	vld.idx.msk [tilespmem:v14+s2+$0x0], $0xffff;
	v14 =	vor.u32 $0x9, v3  }
0x4b: {  	v4 =	vadd.f32 v8, v4;
	v8 =	vld.idx.msk [tilespmem:v15+s2+$0x0], $0xffff;
	v15 =	vor.u32 $0x9, v2  }
0x4c: {  	v5 =	vand.u32 $0x7FFFFFFF, v5;
	v10 =	vsub.f32 v10, v11;
	v11 =	vld.idx.msk [tilespmem:v16+s2+$0x0], $0xffff;
	v16 =	vor.u32 $0xA, v3  }
0x4d: {  	v4 =	vadd.f32 v5, v4;
	v5 =	vor.u32 $0xA, v2;
	v17 =	vld.idx.msk [tilespmem:v17+s2+$0x0], $0xffff  }
0x4e: {  	v19 =	vor.u32 $0xB, v3;
	v10 =	vand.u32 $0x7FFFFFFF, v10;
	v13 =	vsub.f32 v7, v13;
	v18 =	vld.idx.msk [tilespmem:v12+s2+$0x0], $0xffff  }
0x4f: {  	v4 =	vadd.f32 v10, v4;
	v7 =	vld.idx.msk [tilespmem:v14+s2+$0x0], $0xffff;
	v14 =	vor.u32 $0xB, v2  }
0x50: {  	v20 =	vor.u32 $0xC, v3;
	v12 =	vand.u32 $0x7FFFFFFF, v13;
	v6 =	vsub.f32 v6, v9;
	v10 =	vld.idx.msk [tilespmem:v15+s2+$0x0], $0xffff  }
.Ltmp0:
0x51: {  	v9 =	vadd.f32 v12, v4;
	v15 =	vor.u32 $0xC, v2;
	v4 =	vld.idx.msk [tilespmem:v16+s2+$0x0], $0xffff;
	(pc) =	sbr.rel @p0 .LBB2_2-.Ltmp0, $4  }
0x52: {  	v12 =	vor.u32 $0xD, v3;
	v6 =	vand.u32 $0x7FFFFFFF, v6;
	v13 =	vsub.f32 v8, v11;
	v8 =	vld.idx.msk [tilespmem:v5+s2+$0x0], $0xffff  }
0x53: {  	v11 =	vor.u32 $0xD, v2;
	v6 =	vadd.f32 v6, v9;
	v5 =	vld.idx.msk [tilespmem:v19+s2+$0x0], $0xffff  }
0x54: {  	v16 =	vand.u32 $0x7FFFFFFF, v13;
	v17 =	vsub.f32 v17, v18;
	v13 =	vor.u32 $0xE, v3;
	v9 =	vld.idx.msk [tilespmem:v14+s2+$0x0], $0xffff  }
0x55: {  	s12 =	sadd.s32 $0x2, s12;
	v16 =	vadd.f32 v16, v6;
	v14 =	vor.u32 $0xE, v2;
	v6 =	vld.idx.msk [tilespmem:v20+s2+$0x0], $0xffff  }
0x56: {  	_ =	sdelay $0x2  }
0x57: {  	v17 =	vand.u32 $0x7FFFFFFF, v17;
	v7 =	vsub.f32 v7, v10  }
0x58: {  	s11 =	sadd.s32 s3, s13;
	v3 =	vor.u32 $0xF, v3;
	v49 =	vld.idx.msk [tilespmem:v15+s2+$0x0], $0xffff;
	v2 =	vor.u32 $0xF, v2;
	v16 =	vadd.f32 v17, v16  }
0x59: {  	v12 =	vld.idx.msk [tilespmem:v12+s2+$0x0], $0xffff;
	v50 =	vmov s11;
	v4 =	vsub.f32 v4, v8;
	v7 =	vand.u32 $0x7FFFFFFF, v7  }
0x5a: {  	v51 =	vld.idx.msk [tilespmem:v11+s2+$0x0], $0xffff;
	v1 =	vshll.u32 v1, $0x4;
	v15 =	vshll.u32 v50, $0x4;
	v7 =	vadd.f32 v7, v16  }
0x5b: {  	v13 =	vld.idx.msk [tilespmem:v13+s2+$0x0], $0xffff;
	v11 =	vor.u32 v0, v15;
	v4 =	vand.u32 $0x7FFFFFFF, v4;
	v5 =	vsub.f32 v5, v9  }
0x5c: {  	v52 =	vld.idx.msk [tilespmem:v14+s2+$0x0], $0xffff;
	v54 =	vor.u32 $0x1, v1;
	v4 =	vadd.f32 v4, v7  }
0x5d: {  	v53 =	vor.u32 $0x1, v11;
	v3 =	vld.idx.msk [tilespmem:v3+s2+$0x0], $0xffff;
	v5 =	vand.u32 $0x7FFFFFFF, v5;
	v6 =	vsub.f32 v6, v49  }
0x5e: {  	v55 =	vor.u32 $0x2, v11;
	v2 =	vld.idx.msk [tilespmem:v2+s2+$0x0], $0xffff;
	v4 =	vadd.f32 v5, v4  }
0x5f: {  	v57 =	vor.u32 $0x2, v1;
	v8 =	vsub.f32 v12, v51;
	v58 =	vld.idx.msk [tilespmem:v1+s2+$0x0], $0xffff;
	v6 =	vand.u32 $0x7FFFFFFF, v6  }
0x60: {  	v61 =	vor.u32 $0x3, v1;
	v56 =	vld.idx.msk [tilespmem:v11+s2+$0x0], $0xffff;
	v4 =	vadd.f32 v6, v4  }
0x61: {  	v59 =	vor.u32 $0x3, v11;
	v9 =	vsub.f32 v13, v52;
	v7 =	vld.idx.msk [tilespmem:v54+s2+$0x0], $0xffff;
	v8 =	vand.u32 $0x7FFFFFFF, v8  }
0x62: {  	v20 =	vor.u32 $0x4, v1;
	v60 =	vld.idx.msk [tilespmem:v53+s2+$0x0], $0xffff;
	v4 =	vadd.f32 v8, v4  }
0x63: {  	v62 =	vor.u32 $0x4, v11;
	v9 =	vand.u32 $0x7FFFFFFF, v9;
	v63 =	vld.idx.msk [tilespmem:v55+s2+$0x0], $0xffff;
	v2 =	vsub.f32 v3, v2  }
0x64: {  	v23 =	vor.u32 $0x5, v1;
	v3 =	vld.idx.msk [tilespmem:v57+s2+$0x0], $0xffff;
	v4 =	vadd.f32 v9, v4  }
0x65: {  	v21 =	vor.u32 $0x5, v11;
	v24 =	vld.idx.msk [tilespmem:v61+s2+$0x0], $0xffff;
	v2 =	vand.u32 $0x7FFFFFFF, v2;
	v5 =	vsub.f32 v56, v58  }
0x66: {  	v27 =	vor.u32 $0x6, v1;
	v22 =	vld.idx.msk [tilespmem:v59+s2+$0x0], $0xffff;
	v2 =	vadd.f32 v2, v4  }
0x67: {  	v25 =	vor.u32 $0x6, v11;
	v28 =	vld.idx.msk [tilespmem:v20+s2+$0x0], $0xffff;
	v6 =	vsub.f32 v60, v7;
	v5 =	vand.u32 $0x7FFFFFFF, v5  }
0x68: {  	v31 =	vor.u32 $0x7, v1;
	v26 =	vld.idx.msk [tilespmem:v62+s2+$0x0], $0xffff;
	v2 =	vadd.f32 v5, v2  }
0x69: {  	v29 =	vor.u32 $0x7, v11;
	v32 =	vld.idx.msk [tilespmem:v23+s2+$0x0], $0xffff;
	v3 =	vsub.f32 v63, v3;
	v6 =	vand.u32 $0x7FFFFFFF, v6  }
0x6a: {  	v35 =	vor.u32 $0x8, v1;
	v30 =	vld.idx.msk [tilespmem:v21+s2+$0x0], $0xffff;
	v2 =	vadd.f32 v6, v2  }
0x6b: {  	v33 =	vor.u32 $0x8, v11;
	v36 =	vld.idx.msk [tilespmem:v27+s2+$0x0], $0xffff;
	v9 =	vsub.f32 v22, v24;
	v3 =	vand.u32 $0x7FFFFFFF, v3  }
0x6c: {  	v38 =	vor.u32 $0x9, v1;
	v34 =	vld.idx.msk [tilespmem:v25+s2+$0x0], $0xffff;
	v2 =	vadd.f32 v3, v2  }
0x6d: {  	v37 =	vor.u32 $0x9, v11;
	v39 =	vld.idx.msk [tilespmem:v31+s2+$0x0], $0xffff;
	v4 =	vsub.f32 v26, v28;
	v9 =	vand.u32 $0x7FFFFFFF, v9  }
0x6e: {  	v42 =	vor.u32 $0xA, v1;
	v3 =	vld.idx.msk [tilespmem:v29+s2+$0x0], $0xffff;
	v2 =	vadd.f32 v9, v2  }
0x6f: {  	v40 =	vor.u32 $0xA, v11;
	v43 =	vld.idx.msk [tilespmem:v35+s2+$0x0], $0xffff;
	v4 =	vand.u32 $0x7FFFFFFF, v4;
	v5 =	vsub.f32 v30, v32  }
0x70: {  	v46 =	vor.u32 $0xB, v1;
	v41 =	vld.idx.msk [tilespmem:v33+s2+$0x0], $0xffff;
	v2 =	vadd.f32 v4, v2  }
0x71: {  	v44 =	vor.u32 $0xB, v11;
	v10 =	vld.idx.msk [tilespmem:v38+s2+$0x0], $0xffff;
	v5 =	vand.u32 $0x7FFFFFFF, v5;
	v6 =	vsub.f32 v34, v36  }
0x72: {  	v49 =	vor.u32 $0xC, v1;
	v45 =	vld.idx.msk [tilespmem:v37+s2+$0x0], $0xffff;
	v2 =	vadd.f32 v5, v2  }
0x73: {  	v47 =	vor.u32 $0xC, v11;
	v50 =	vld.idx.msk [tilespmem:v42+s2+$0x0], $0xffff;
	v6 =	vand.u32 $0x7FFFFFFF, v6;
	v3 =	vsub.f32 v3, v39  }
0x74: {  	v51 =	vor.u32 $0xD, v11;
	v48 =	vld.idx.msk [tilespmem:v40+s2+$0x0], $0xffff;
	v2 =	vadd.f32 v6, v2  }
0x75: {  	v54 =	vld.idx.msk [tilespmem:v46+s2+$0x0], $0xffff;
	v53 =	vor.u32 $0xD, v1;
	v8 =	vsub.f32 v41, v43;
	v3 =	vand.u32 $0x7FFFFFFF, v3  }
0x76: {  	v52 =	vld.idx.msk [tilespmem:v44+s2+$0x0], $0xffff;
	v55 =	vor.u32 $0xE, v11;
	v2 =	vadd.f32 v3, v2  }
0x77: {  	v57 =	vld.idx.msk [tilespmem:v49+s2+$0x0], $0xffff;
	v56 =	vor.u32 $0xE, v1;
	v8 =	vand.u32 $0x7FFFFFFF, v8;
	v4 =	vsub.f32 v45, v10  }
0x78: {  	v11 =	vor.u32 $0xF, v11;
	v3 =	vld.idx.msk [tilespmem:v47+s2+$0x0], $0xffff;
	v2 =	vadd.f32 v8, v2  }
0x79: {  	v58 =	vld.idx.msk [tilespmem:v51+s2+$0x0], $0xffff;
	v1 =	vor.u32 $0xF, v1;
	v4 =	vand.u32 $0x7FFFFFFF, v4;
	v5 =	vsub.f32 v48, v50  }
0x7a: {  	v59 =	vld.idx.msk [tilespmem:v53+s2+$0x0], $0xffff;
	v2 =	vadd.f32 v4, v2  }
0x7b: {  	v60 =	vld.idx.msk [tilespmem:v55+s2+$0x0], $0xffff;
	v5 =	vand.u32 $0x7FFFFFFF, v5;
	v6 =	vsub.f32 v52, v54  }
0x7c: {  	v61 =	vld.idx.msk [tilespmem:v56+s2+$0x0], $0xffff;
	v2 =	vadd.f32 v5, v2  }
0x7d: {  	v62 =	vld.idx.msk [tilespmem:v11+s2+$0x0], $0xffff;
	v6 =	vand.u32 $0x7FFFFFFF, v6;
	v3 =	vsub.f32 v3, v57  }
0x7e: {  	v1 =	vld.idx.msk [tilespmem:v1+s2+$0x0], $0xffff;
	v2 =	vadd.f32 v6, v2  }
0x7f: {  	v63 =	vsub.f32 v58, v59;
	v3 =	vand.u32 $0x7FFFFFFF, v3  }
0x80: {  	v2 =	vadd.f32 v3, v2  }
0x81: {  	v4 =	vsub.f32 v60, v61;
	v3 =	vand.u32 $0x7FFFFFFF, v63  }
0x82: {  	v2 =	vadd.f32 v3, v2  }
0x83: {  	v1 =	vsub.f32 v62, v1;
	v3 =	vand.u32 $0x7FFFFFFF, v4  }
0x84: {  	v2 =	vadd.f32 v3, v2  }
0x85: {  	v1 =	vand.u32 $0x7FFFFFFF, v1  }
0x86: {  	s10 =	sadd.s32 $0x1, s10;
	v1 =	vadd.f32 v1, v2  }
0x87: {  	p0 =	sne.s32 s10, s7  }
.Ltmp1:
0x88: {  	[tilespmem:$0x10800] =	vst v1;
	(pc) =	sbr.rel @p0 .LBB2_1-.Ltmp1, $4  }
0x89: {  	[hbm4b:s6+s2] =	stream.linear.scatter [tilespmem:s9], [sflag:$0x1], $0x10, $0x38;
	[tilespmem:$0x10810] =	vst v63  }
0x8a: {  	_ =	swait.ge [sflag:s8], $0x10  }
0x8b: {  	[sflag:s8] =	ssyncset.done $0x0  }
0x8c: {  	[sflag:s8] =	ssyncadd.s32 $0xFFFFFFF0  }
0x8d: {  	_ =	sfence.sel $0x180000  }
0x8e: {  	[bflag:$0x0] =	sbarrier.arrive $0xFFFF  }
0x8f: {  	p0 =	sne.s32 s1, $0x0;
	_ =	strace $0x9000004A  }
0x90: {  	s0 =	sadd.s32 @!p0 $0x100000, s0;
	[bflag:$0x2] =	sbarrier.arrive $0xFFFF  }
0x91: {  	[sflag:s0] =	ssyncadd.tile.s32 @!p0 $0x1;
	_ =	shalt  }
.Lfunc_end2:
_tile_overlayer_lowered:
.L_overlay_start_2:
0x92: {  	(tag) =	ssettag $0x2  }
0x93: {  	s0 =	rddreg [dreg:$0x0];
	s2 =	stileid.u32  }
0x94: {  	s1 =	rddreg [dreg:$0x1];
	p0 =	sne.s32 s2, $0x0  }
0x95: {  	s3 =	rddreg [dreg:$0x2];
	[bflag:$0x3] =	sbarrier.arrive $0xFFFF;
	s2 =	simm.s32 @!p0 $0x1C01  }
0x96: {  	[timem:s3], [sflag:s2] =	dma.local @!p0 [hbm:s0], s1  }
0x97: {  	s0 =	simm.s32 @!p0 $0x1  }
0x98: {  	_ =	swait.ge @!p0 [sflag:s0], s1  }
0x99: {  	s1 =	ssub.s32 @!p0 $0x0, s1;
	[sflag:s0] =	ssyncset.done @!p0 $0x0  }
0x9a: {  	[sflag:s0] =	ssyncadd.s32 @!p0 s1  }
0x9b: {  	[bflag:$0x3] =	sbarrier.arrive $0xFFFF  }
0x9c: {  	_ =	shalt  }

</sc_bundles>
